<compile_context>
chip_gen: v7x
topology: tpu7x:2x2x1
jax: 0.10.2.dev20260603
libtpu: 0.0.44.dev20260713+nightly
codegen_flags: <defaults>
</compile_context>

<pallas_src>
import functools

import jax
import jax.numpy as jnp
from jax import lax
from jax.experimental import pallas as pl
from jax.experimental.pallas import tpu as pltpu
from jax.experimental.pallas import tpu_sc as plsc

_B = 16
_G = 978
_GP = 1024
_GVD = 200
_H = 4
_C = 64
_HC = _H * _C
_E = 20000
_GEXFULL = 12328
_ROWS_PER_TILE = _GP // 32



def _sc_graph_prep(ppi, gex_idx_padded, gex_x1):
    mesh = plsc.VectorSubcoreMesh(core_axis_name="c", subcore_axis_name="s")

    @functools.partial(
        pl.kernel,
        mesh=mesh,
        compiler_params=pltpu.CompilerParams(needs_layout_passes=False),
        out_type=[
            jax.ShapeDtypeStruct((_GP * _GP,), jnp.float32),
            jax.ShapeDtypeStruct((_B, _GP), jnp.float32),
        ],
        scratch_types=[
            pltpu.VMEM((_E,), jnp.int32),
            pltpu.VMEM((_E,), jnp.int32),
            pltpu.VMEM((_ROWS_PER_TILE * _GP,), jnp.float32),
            pltpu.VMEM((_GP,), jnp.int32),
            pltpu.VMEM((_GEXFULL,), jnp.float32),
            pltpu.VMEM((_GP,), jnp.float32),
        ],
    )
    def k(ppi_hbm, idx_hbm, gex_hbm, adj_hbm, gexg_hbm, sv, dv, acc, idxv, rowv, outv):
        wid = lax.axis_index("s") * 2 + lax.axis_index("c")
        lo = wid * _ROWS_PER_TILE
        zeros16 = jnp.zeros((16,), jnp.float32)
        ones16 = jnp.ones((16,), jnp.float32)
        iota16 = lax.iota(jnp.int32, 16)

        def zrow(i, carry):
            for u in range(4):
                acc[pl.ds((i * 4 + u) * 16, 16)] = zeros16
            return carry

        lax.fori_loop(0, _ROWS_PER_TILE * _GP // 64, zrow, 0)

        pltpu.sync_copy(ppi_hbm.at[0], sv)
        pltpu.sync_copy(ppi_hbm.at[1], dv)

        def edge_chunk(j):
            ss = sv[pl.ds(j * 16, 16)]
            dd = dv[pl.ds(j * 16, 16)]
            m = (dd >= lo) & (dd < lo + _ROWS_PER_TILE)
            flat = jnp.where(m, (dd - lo) * _GP + ss, 0)
            plsc.addupdate_scatter(acc, [flat], ones16, mask=m)

        def edge_body(i, carry):
            for u in range(4):
                edge_chunk(i * 4 + u)
            return carry

        n_chunks = _E // 16
        lax.fori_loop(0, n_chunks // 4, edge_body, 0)
        for j in range((n_chunks // 4) * 4, n_chunks):
            edge_chunk(j)

        for j in range(_ROWS_PER_TILE // 16):
            ii = lo + j * 16 + iota16
            m = ii < _G
            flat = jnp.where(m, (ii - lo) * _GP + ii, 0)
            plsc.addupdate_scatter(acc, [flat], ones16, mask=m)

        pltpu.sync_copy(acc, adj_hbm.at[pl.ds(lo * _GP, _ROWS_PER_TILE * _GP)])

        @pl.when(wid < _B)
        def _():
            pltpu.sync_copy(idx_hbm, idxv)
            pltpu.sync_copy(gex_hbm.at[wid], rowv)

            def gather_body(i, carry):
                ii = idxv[pl.ds(i * 16, 16)]
                outv[pl.ds(i * 16, 16)] = plsc.load_gather(rowv, [ii])
                return carry

            lax.fori_loop(0, _GP // 16, gather_body, 0)
            pltpu.sync_copy(outv, gexg_hbm.at[wid])

    return k(ppi, gex_idx_padded, gex_x1)



def _bn(x, g, b):
    mu = jnp.mean(x, axis=0, keepdims=True)
    v = jnp.mean((x - mu) ** 2, axis=0, keepdims=True)
    return (x - mu) * lax.rsqrt(v + 1e-5) * g + b


def _prep_drug_body(drug, dose, dur, dW1, db1, dW2, db2, dW3, db3,
                    g1, b1, g3, b3, g4, b4,
                    de_o, dose2_o, dur2_o):
    d0 = _bn(drug[...], g1[...], b1[...])
    h = jnp.maximum(jnp.dot(d0, dW1[...], preferred_element_type=jnp.float32) + db1[...], 0.0)
    h = jnp.maximum(jnp.dot(h, dW2[...], preferred_element_type=jnp.float32) + db2[...], 0.0)
    h = jnp.maximum(jnp.dot(h, dW3[...], preferred_element_type=jnp.float32) + db3[...], 0.0)
    de_o[...] = h
    dose2_o[...] = _bn(dose[...], g3[...], b3[...])
    dur2_o[...] = _bn(dur[...], g4[...], b4[...])


def _prep_gex_body(gexg, adj, g2, b2, gexn_o, logA_o):
    a = adj[...]
    logA_o[...] = jnp.where(a > 0.0, jnp.log(a), -1e30)
    gexn_o[...] = _bn(gexg[...], g2[...], b2[...])



def _gat_layer(x, W, a_s, a_d, gb, logA, ones_col):
    xp = jnp.dot(x, W, preferred_element_type=jnp.float32)
    outs = []
    for h in range(_H):
        xph = xp[:, h * _C:(h + 1) * _C]
        edh = jnp.sum(xph * a_d[:, h * _C:(h + 1) * _C], axis=1, keepdims=True)
        esr = lax.dot_general(a_s[:, h * _C:(h + 1) * _C], xph,
                              (((1,), (1,)), ((), ())),
                              preferred_element_type=jnp.float32)
        e = esr + edh
        em = jnp.maximum(e, 0.2 * e) + logA
        mh = jnp.max(em, axis=1, keepdims=True)
        ex = jnp.exp(em - mh)
        agg = jnp.dot(ex, jnp.concatenate([xph, ones_col], axis=1),
                      preferred_element_type=jnp.float32)
        outs.append(agg[:, :_C] / (agg[:, _C:_C + 1] + 1e-16))
    return jnp.maximum(jnp.concatenate(outs, axis=1) + gb, 0.0)


def _fused_body(gexnT, g2vp, logA_ref, gW0, a0s, a0d, gb0, gW1, a1s, a1d, gb1,
                rW1, rb1, rW2, rb2, rW3, rb3,
                de, dose2, dur2, pW1a, pW1b, pW1c, pb1, pW2, pb2, pW3, pb3,
                out_o):
    b = pl.program_id(0)
    logA = logA_ref[...]
    rowid = lax.broadcasted_iota(jnp.int32, (_B, 1), 0)
    oh = (rowid == b).astype(jnp.float32)
    xcol = jnp.dot(gexnT[...], oh, preferred_element_type=jnp.float32)
    ge = xcol * g2vp[...]

    ones_col = jnp.ones((_GP, 1), jnp.float32)
    h0 = _gat_layer(ge, gW0[...], a0s[...], a0d[...], gb0[...], logA, ones_col)
    h1 = _gat_layer(h0, gW1[...], a1s[...], a1d[...], gb1[...], logA, ones_col)
    hcat = jnp.concatenate([h0, h1], axis=1)

    ro = lax.dot_general(hcat, rW1[...], (((0,), (0,)), ((), ())),
                         preferred_element_type=jnp.float32)
    ro = jnp.maximum(ro + rb1[...], 0.0)
    ro = jnp.maximum(jnp.dot(ro, rW2[...], preferred_element_type=jnp.float32) + rb2[...], 0.0)
    ro = jnp.maximum(jnp.dot(ro, rW3[...], preferred_element_type=jnp.float32) + rb3[...], 0.0)

    t = lax.dot_general(ro, pW1b[...], (((0,), (0,)), ((), ())),
                        preferred_element_type=jnp.float32)
    t = t + jnp.dot(de[0], pW1a[...], preferred_element_type=jnp.float32)
    t = t + dose2[0] * pW1c[0:1, :] + dur2[0] * pW1c[1:2, :]
    t = jnp.maximum(t + pb1[...], 0.0)
    t = jnp.maximum(jnp.dot(t, pW2[...], preferred_element_type=jnp.float32) + pb2[...], 0.0)
    res = jnp.dot(t, pW3[...], preferred_element_type=jnp.float32) + pb3[...]
    out_o[...] = res.reshape(1, 1, res.shape[1])


def kernel(gex_x1, drug_input, dose, duration, get_gex_idxs, ppi_adj, g2v,
           dW1, db1, dW2, db2, dW3, db3, gW0, as0, ad0, gb0, gW1, as1, ad1, gb1,
           rW1, rb1, rW2, rb2, rW3, rb3, pW1, pb1, pW2, pb2, pW3, pb3,
           bn1_g, bn1_b, bn2_g, bn2_b, bn3_g, bn3_b, bn4_g, bn4_b):
    f32 = jnp.float32

    ppi = ppi_adj.astype(jnp.int32)
    idxp = jnp.pad(get_gex_idxs.astype(jnp.int32), (0, _GP - _G))
    adj_flat, gexg = _sc_graph_prep(ppi, idxp, gex_x1.astype(f32))
    adj = adj_flat.reshape(_GP, _GP)

    de, dose2, dur2 = pl.pallas_call(
        _prep_drug_body,
        out_shape=[
            jax.ShapeDtypeStruct((_B, 128), f32),
            jax.ShapeDtypeStruct((_B, 1), f32),
            jax.ShapeDtypeStruct((_B, 1), f32),
        ],
    )(
        drug_input, dose.reshape(_B, 1), duration.reshape(_B, 1),
        dW1, db1.reshape(1, -1), dW2, db2.reshape(1, -1), dW3, db3.reshape(1, -1),
        bn1_g.reshape(1, -1), bn1_b.reshape(1, -1),
        bn3_g.reshape(1, 1), bn3_b.reshape(1, 1),
        bn4_g.reshape(1, 1), bn4_b.reshape(1, 1),
    )

    gexn, logA = pl.pallas_call(
        _prep_gex_body,
        out_shape=[
            jax.ShapeDtypeStruct((_B, _GP), f32),
            jax.ShapeDtypeStruct((_GP, _GP), f32),
        ],
    )(
        gexg, adj,
        jnp.pad(bn2_g, (0, _GP - _G)).reshape(1, _GP),
        jnp.pad(bn2_b, (0, _GP - _G)).reshape(1, _GP),
    )

    gexnT = gexn.T
    g2vp = jnp.pad(g2v, ((0, _GP - _G), (0, 256 - _GVD)))
    gW0p = jnp.pad(gW0, ((0, 256 - _GVD), (0, 0)))
    rW1p = jnp.pad(rW1, ((0, _GP - _G), (0, 0)))
    pW1a = pW1[0:128]
    pW1b = pW1[128:128 + 512]
    pW1c = pW1[128 + 512:]
    r1 = rW1.shape[1]
    r2 = rW2.shape[1]
    p1 = pW1.shape[1]
    p2 = pW2.shape[1]
    nc = pW3.shape[1]

    const2 = lambda blk: pl.BlockSpec(blk, lambda b: (0, 0))
    perb3 = lambda blk: pl.BlockSpec(blk, lambda b: (b, 0, 0))

    out = pl.pallas_call(
        _fused_body,
        grid=(_B,),
        in_specs=[
            const2((_GP, _B)),
            const2((_GP, 256)),
            const2((_GP, _GP)),
            const2((256, _HC)),
            const2((1, _HC)),
            const2((1, _HC)),
            const2((1, _HC)),
            const2((_HC, _HC)),
            const2((1, _HC)),
            const2((1, _HC)),
            const2((1, _HC)),
            const2((_GP, r1)),
            const2((1, r1)),
            const2((r1, r2)),
            const2((1, r2)),
            const2((r2, 1)),
            const2((1, 1)),
            perb3((1, 1, 128)),
            perb3((1, 1, 1)),
            perb3((1, 1, 1)),
            const2((128, p1)),
            const2((512, p1)),
            const2((2, p1)),
            const2((1, p1)),
            const2((p1, p2)),
            const2((1, p2)),
            const2((p2, nc)),
            const2((1, nc)),
        ],
        out_specs=perb3((1, 1, nc)),
        out_shape=jax.ShapeDtypeStruct((_B, 1, nc), f32),
    )(
        gexnT, g2vp, logA, gW0p, as0.reshape(1, _HC), ad0.reshape(1, _HC),
        gb0.reshape(1, _HC), gW1, as1.reshape(1, _HC), ad1.reshape(1, _HC),
        gb1.reshape(1, _HC), rW1p, rb1.reshape(1, r1), rW2, rb2.reshape(1, r2),
        rW3, rb3.reshape(1, 1), de.reshape(_B, 1, 128), dose2.reshape(_B, 1, 1),
        dur2.reshape(_B, 1, 1),
        pW1a, pW1b, pW1c, pb1.reshape(1, p1), pW2, pb2.reshape(1, p2),
        pW3, pb3.reshape(1, nc),
    )
    return out.reshape(_B, nc)

# --- scband reference (transcript-rebuilt; emitter-appended) ---
"""Pipeline reference for scband-gex-ppi-gat-cat4-mlp-21655225106966 (READ-ONLY COPY).

The authoritative reference and input builder live on the scoring server;
editing this copy changes nothing except your own understanding.
"""

import jax, jax.numpy as jnp
import numpy as np

B = 16; G = 978; GVD = 200; H = 4; C = 64; HC = H * C; HOPS = 2
ECFP = 2048; DED = 128; NC = 2; E = 20000; GEXFULL = 12328
D1 = 1408; D2 = 768
R1 = 652; R2 = 326
PE = DED + HOPS * HC + 2; P1 = 428; P2 = 214


def setup_inputs(seed: int = 0):
    key = jax.random.key(seed)
    ks = jax.random.split(key, 48)
    s = 0.05
    inp = {}
    inp["gex_x1"] = jax.random.normal(ks[0], (B, GEXFULL), jnp.float32)
    inp["drug_input"] = jax.random.normal(ks[1], (B, ECFP), jnp.float32)
    inp["dose"] = jax.random.uniform(ks[2], (B,), jnp.float32)
    inp["duration"] = jax.random.uniform(ks[3], (B,), jnp.float32)
    inp["get_gex_idxs"] = jax.random.randint(ks[4], (G,), 0, GEXFULL)
    inp["ppi_adj"] = jax.random.randint(ks[5], (2, E), 0, G)
    inp["g2v"] = jax.random.normal(ks[6], (G, GVD), jnp.float32) * s
    inp["dW1"] = jax.random.normal(ks[7], (ECFP, D1), jnp.float32) * s
    inp["db1"] = jnp.zeros((D1,), jnp.float32)
    inp["dW2"] = jax.random.normal(ks[8], (D1, D2), jnp.float32) * s
    inp["db2"] = jnp.zeros((D2,), jnp.float32)
    inp["dW3"] = jax.random.normal(ks[9], (D2, DED), jnp.float32) * s
    inp["db3"] = jnp.zeros((DED,), jnp.float32)
    inp["gW0"] = jax.random.normal(ks[10], (GVD, HC), jnp.float32) * s
    inp["as0"] = jax.random.normal(ks[11], (H, C), jnp.float32) * s
    inp["ad0"] = jax.random.normal(ks[12], (H, C), jnp.float32) * s
    inp["gb0"] = jnp.zeros((HC,), jnp.float32)
    inp["gW1"] = jax.random.normal(ks[13], (HC, HC), jnp.float32) * s
    inp["as1"] = jax.random.normal(ks[14], (H, C), jnp.float32) * s
    inp["ad1"] = jax.random.normal(ks[15], (H, C), jnp.float32) * s
    inp["gb1"] = jnp.zeros((HC,), jnp.float32)
    inp["rW1"] = jax.random.normal(ks[16], (G, R1), jnp.float32) * s
    inp["rb1"] = jnp.zeros((R1,), jnp.float32)
    inp["rW2"] = jax.random.normal(ks[17], (R1, R2), jnp.float32) * s
    inp["rb2"] = jnp.zeros((R2,), jnp.float32)
    inp["rW3"] = jax.random.normal(ks[18], (R2, 1), jnp.float32) * s
    inp["rb3"] = jnp.zeros((1,), jnp.float32)
    inp["pW1"] = jax.random.normal(ks[19], (PE, P1), jnp.float32) * s
    inp["pb1"] = jnp.zeros((P1,), jnp.float32)
    inp["pW2"] = jax.random.normal(ks[20], (P1, P2), jnp.float32) * s
    inp["pb2"] = jnp.zeros((P2,), jnp.float32)
    inp["pW3"] = jax.random.normal(ks[21], (P2, NC), jnp.float32) * s
    inp["pb3"] = jnp.zeros((NC,), jnp.float32)
    inp["bn1_g"] = jnp.ones((ECFP,), jnp.float32); inp["bn1_b"] = jnp.zeros((ECFP,), jnp.float32)
    inp["bn2_g"] = jnp.ones((G,), jnp.float32); inp["bn2_b"] = jnp.zeros((G,), jnp.float32)
    inp["bn3_g"] = jnp.ones((1,), jnp.float32); inp["bn3_b"] = jnp.zeros((1,), jnp.float32)
    inp["bn4_g"] = jnp.ones((1,), jnp.float32); inp["bn4_b"] = jnp.zeros((1,), jnp.float32)
    return inp


def _bn(x, g, b):
    mu = x.mean(axis=0, keepdims=True)
    v = x.var(axis=0, keepdims=True)
    return (x - mu) / jnp.sqrt(v + 1e-5) * g + b


def _gat(x, ei, W, a_src, a_dst, bias, N):
    xp = (x @ W).reshape(N, H, C)
    s, d = ei[0], ei[1]
    es = jnp.sum(xp * a_src[None], axis=-1)
    ed = jnp.sum(xp * a_dst[None], axis=-1)
    e = jax.nn.leaky_relu(es[s] + ed[d], 0.2)
    m = jax.lax.stop_gradient(jax.ops.segment_max(e, d, num_segments=N))
    ex = jnp.exp(e - m[d])
    den = jax.ops.segment_sum(ex, d, num_segments=N)
    alpha = ex / (den[d] + 1e-16)
    out = jax.ops.segment_sum(xp[s] * alpha[:, :, None], d, num_segments=N)
    return out.reshape(N, HC) + bias


def reference(gex_x1, drug_input, dose, duration, get_gex_idxs, ppi_adj, g2v, dW1, db1, dW2, db2, dW3, db3, gW0, as0, ad0, gb0, gW1, as1, ad1, gb1, rW1, rb1, rW2, rb2, rW3, rb3, pW1, pb1, pW2, pb2, pW3, pb3, bn1_g, bn1_b, bn2_g, bn2_b, bn3_g, bn3_b, bn4_g, bn4_b):
    Bq = drug_input.shape[0]
    gex = jnp.take(gex_x1, get_gex_idxs, axis=1)
    drug = _bn(drug_input, bn1_g, bn1_b)
    gex = _bn(gex, bn2_g, bn2_b)[:, :, None]
    dose2 = _bn(dose.reshape(-1, 1), bn3_g, bn3_b)
    dur2 = _bn(duration.reshape(-1, 1), bn4_g, bn4_b)
    de = jax.nn.relu(drug @ dW1 + db1)
    de = jax.nn.relu(de @ dW2 + db2)
    de = jax.nn.relu(de @ dW3 + db3)
    ge = (gex * g2v[None]).reshape(Bq * G, GVD)
    off = jnp.arange(Bq) * G
    ei = (ppi_adj[:, None, :] + off[None, :, None]).reshape(2, -1)
    N = Bq * G
    loops = jnp.arange(N)
    ei = jnp.concatenate([ei.astype(jnp.int32), jnp.stack([loops, loops]).astype(jnp.int32)], axis=1)
    cats = []
    h = jax.nn.relu(_gat(ge, ei, gW0, as0, ad0, gb0, N))
    cats.append(h.reshape(Bq, G, HC))
    h = jax.nn.relu(_gat(h, ei, gW1, as1, ad1, gb1, N))
    cats.append(h.reshape(Bq, G, HC))
    ro = jnp.concatenate(cats, axis=-1).transpose(0, 2, 1)
    ro = jax.nn.relu(ro @ rW1 + rb1)
    ro = jax.nn.relu(ro @ rW2 + rb2)
    ro = jax.nn.relu(ro @ rW3 + rb3).squeeze(-1)
    tot = jnp.concatenate([de, ro, dose2, dur2], axis=-1)
    tot = jax.nn.relu(tot @ pW1 + pb1)
    tot = jax.nn.relu(tot @ pW2 + pb2)
    return tot @ pW3 + pb3

if __name__ == "__main__":
    import jax
    _d = setup_inputs()
    print(jax.jit(kernel)(*tuple(_d.values())))

</pallas_src>

<mosaic_0001>
#map = affine_map<(d0, d1) -> (0, 0)>
#map1 = affine_map<(d0, d1) -> (0)>
module attributes {stable_mosaic.version = 14 : i64} {
  func.func @k(%arg0: i32, %arg1: i32, %arg2: memref<2x20000xi32, #tpu.memory_space<hbm>>, %arg3: memref<1024xi32, #tpu.memory_space<hbm>>, %arg4: memref<16x12328xf32, #tpu.memory_space<hbm>>, %arg5: memref<1048576xf32, #tpu.memory_space<hbm>>, %arg6: memref<16x1024xf32, #tpu.memory_space<hbm>>, %arg7: memref<20000xi32, #tpu.memory_space<vmem>>, %arg8: memref<20000xi32, #tpu.memory_space<vmem>>, %arg9: memref<32768xf32, #tpu.memory_space<vmem>>, %arg10: memref<1024xi32, #tpu.memory_space<vmem>>, %arg11: memref<12328xf32, #tpu.memory_space<vmem>>, %arg12: memref<1024xf32, #tpu.memory_space<vmem>>) attributes {dimension_semantics = [#tpu.dimension_semantics<core_parallel>, #tpu.dimension_semantics<subcore_parallel>], iteration_bounds = array<i64: 2, 16>, scalar_prefetch = 0 : i64, scratch_operands = 6 : i64, tpu.core_type = #tpu.core_type<sc_vector_subcore>, window_params = [{transform_indices = #map}, {transform_indices = #map1}, {transform_indices = #map}, {transform_indices = #map1}, {transform_indices = #map}]} {
    %mul3A = arith.constant 2 : i32
    %mul3A_0 = arith.muli %arg1, %mul3A : i32
    %add3A = arith.addi %mul3A_0, %arg0 : i32
    %mul3A_1 = arith.constant 32 : i32
    %mul3A_2 = arith.muli %add3A, %mul3A_1 : i32
    %broadcast_in_dim3A = arith.constant 0.000000e+00 : f32
    %broadcast_in_dim3A_3 = vector.broadcast %broadcast_in_dim3A : f32 to vector<16xf32>
    %broadcast_in_dim3A_4 = arith.constant 1.000000e+00 : f32
    %broadcast_in_dim3A_5 = vector.broadcast %broadcast_in_dim3A_4 : f32 to vector<16xf32>
    %iota3A = tpu.iota {dimensions = array<i32: 0>} : vector<16xi32>
    %scan3A = arith.constant 0 : i32
    %scan3A_6 = arith.constant 0 : i32
    %scan3A_7 = arith.constant 512 : i32
    %scan3A_8 = arith.addi %scan3A_6, %scan3A_7 : i32
    %scan3A_9 = arith.constant 1 : i32
    scf.for %scan3A_88 = %scan3A_6 to %scan3A_8 step %scan3A_9  : i32 {
      %mul3A_89 = arith.constant 4 : i32
      %mul3A_90 = arith.muli %scan3A_88, %mul3A_89 : i32
      %add3A_91 = arith.constant 0 : i32
      %add3A_92 = arith.addi %mul3A_90, %add3A_91 : i32
      %mul3A_93 = arith.constant 16 : i32
      %mul3A_94 = arith.muli %add3A_92, %mul3A_93 : i32
      %swap3A = arith.index_cast %mul3A_94 : i32 to index
      %swap3A_95 = tpu.vector_load %arg9[%swap3A] {strides = array<i32>} : memref<32768xf32, #tpu.memory_space<vmem>>, vector<16xf32>,
      tpu.vector_store %arg9[%swap3A], %broadcast_in_dim3A_3 {strides = array<i32>} : memref<32768xf32, #tpu.memory_space<vmem>>, vector<16xf32>,
      %mul3A_96 = arith.constant 4 : i32
      %mul3A_97 = arith.muli %scan3A_88, %mul3A_96 : i32
      %add3A_98 = arith.constant 1 : i32
      %add3A_99 = arith.addi %mul3A_97, %add3A_98 : i32
      %mul3A_100 = arith.constant 16 : i32
      %mul3A_101 = arith.muli %add3A_99, %mul3A_100 : i32
      %swap3A_102 = arith.index_cast %mul3A_101 : i32 to index
      %swap3A_103 = tpu.vector_load %arg9[%swap3A_102] {strides = array<i32>} : memref<32768xf32, #tpu.memory_space<vmem>>, vector<16xf32>,
      tpu.vector_store %arg9[%swap3A_102], %broadcast_in_dim3A_3 {strides = array<i32>} : memref<32768xf32, #tpu.memory_space<vmem>>, vector<16xf32>,
      %mul3A_104 = arith.constant 4 : i32
      %mul3A_105 = arith.muli %scan3A_88, %mul3A_104 : i32
      %add3A_106 = arith.constant 2 : i32
      %add3A_107 = arith.addi %mul3A_105, %add3A_106 : i32
      %mul3A_108 = arith.constant 16 : i32
      %mul3A_109 = arith.muli %add3A_107, %mul3A_108 : i32
      %swap3A_110 = arith.index_cast %mul3A_109 : i32 to index
      %swap3A_111 = tpu.vector_load %arg9[%swap3A_110] {strides = array<i32>} : memref<32768xf32, #tpu.memory_space<vmem>>, vector<16xf32>,
      tpu.vector_store %arg9[%swap3A_110], %broadcast_in_dim3A_3 {strides = array<i32>} : memref<32768xf32, #tpu.memory_space<vmem>>, vector<16xf32>,
      %mul3A_112 = arith.constant 4 : i32
      %mul3A_113 = arith.muli %scan3A_88, %mul3A_112 : i32
      %add3A_114 = arith.constant 3 : i32
      %add3A_115 = arith.addi %mul3A_113, %add3A_114 : i32
      %mul3A_116 = arith.constant 16 : i32
      %mul3A_117 = arith.muli %add3A_115, %mul3A_116 : i32
      %swap3A_118 = arith.index_cast %mul3A_117 : i32 to index
      %swap3A_119 = tpu.vector_load %arg9[%swap3A_118] {strides = array<i32>} : memref<32768xf32, #tpu.memory_space<vmem>>, vector<16xf32>,
      tpu.vector_store %arg9[%swap3A_118], %broadcast_in_dim3A_3 {strides = array<i32>} : memref<32768xf32, #tpu.memory_space<vmem>>, vector<16xf32>,
    }
    %scan3A_10 = arith.constant 512 : i32
    %run_scoped3A = arith.constant 0 : i32
    "tpu.region"() ({
      %run_scoped3A_88 = tpu.sem_alloc : memref<!tpu.dma_semaphore, #tpu.memory_space<semaphore_mem>>
      %dma_start3A = arith.constant 0 : i32
      %dma_start3A_89 = tpu.memref_slice %arg2[%run_scoped3A, %dma_start3A] : memref<2x20000xi32, #tpu.memory_space<hbm>> -> memref<1x20000xi32, #tpu.memory_space<hbm>>
      %dma_start3A_90 = tpu.memref_squeeze %dma_start3A_89 : memref<1x20000xi32, #tpu.memory_space<hbm>> -> memref<20000xi32, #tpu.memory_space<hbm>>
      %dma_start3A_91 = arith.constant 0 : i32
      %dma_start3A_92 = tpu.memref_slice %arg2[%run_scoped3A, %dma_start3A_91] : memref<2x20000xi32, #tpu.memory_space<hbm>> -> memref<1x20000xi32, #tpu.memory_space<hbm>>
      %dma_start3A_93 = tpu.memref_squeeze %dma_start3A_92 : memref<1x20000xi32, #tpu.memory_space<hbm>> -> memref<20000xi32, #tpu.memory_space<hbm>>
      tpu.enqueue_dma source(%dma_start3A_93 : memref<20000xi32, #tpu.memory_space<hbm>>) target(%arg7 : memref<20000xi32, #tpu.memory_space<vmem>>) target_semaphore(%run_scoped3A_88 : memref<!tpu.dma_semaphore, #tpu.memory_space<semaphore_mem>>)
      %dma_wait3A = arith.constant 0 : i32
      %dma_wait3A_94 = tpu.memref_slice %arg2[%run_scoped3A, %dma_wait3A] : memref<2x20000xi32, #tpu.memory_space<hbm>> -> memref<1x20000xi32, #tpu.memory_space<hbm>>
      %dma_wait3A_95 = tpu.memref_squeeze %dma_wait3A_94 : memref<1x20000xi32, #tpu.memory_space<hbm>> -> memref<20000xi32, #tpu.memory_space<hbm>>
      %dma_wait3A_96 = arith.constant 0 : i32
      %dma_wait3A_97 = tpu.memref_slice %arg2[%run_scoped3A, %dma_wait3A_96] : memref<2x20000xi32, #tpu.memory_space<hbm>> -> memref<1x20000xi32, #tpu.memory_space<hbm>>
      %dma_wait3A_98 = tpu.memref_squeeze %dma_wait3A_97 : memref<1x20000xi32, #tpu.memory_space<hbm>> -> memref<20000xi32, #tpu.memory_space<hbm>>
      tpu.wait_dma2 semaphore(%run_scoped3A_88 : memref<!tpu.dma_semaphore, #tpu.memory_space<semaphore_mem>>) src(%dma_wait3A_98 : memref<20000xi32, #tpu.memory_space<hbm>>) dst(%arg7 : memref<20000xi32, #tpu.memory_space<vmem>>)
      tpu.yield
    }) : () -> ()
    %run_scoped3A_11 = arith.constant 1 : i32
    "tpu.region"() ({
      %run_scoped3A_88 = tpu.sem_alloc : memref<!tpu.dma_semaphore, #tpu.memory_space<semaphore_mem>>
      %dma_start3A = arith.constant 0 : i32
      %dma_start3A_89 = tpu.memref_slice %arg2[%run_scoped3A_11, %dma_start3A] : memref<2x20000xi32, #tpu.memory_space<hbm>> -> memref<1x20000xi32, #tpu.memory_space<hbm>>
      %dma_start3A_90 = tpu.memref_squeeze %dma_start3A_89 : memref<1x20000xi32, #tpu.memory_space<hbm>> -> memref<20000xi32, #tpu.memory_space<hbm>>
      %dma_start3A_91 = arith.constant 0 : i32
      %dma_start3A_92 = tpu.memref_slice %arg2[%run_scoped3A_11, %dma_start3A_91] : memref<2x20000xi32, #tpu.memory_space<hbm>> -> memref<1x20000xi32, #tpu.memory_space<hbm>>
      %dma_start3A_93 = tpu.memref_squeeze %dma_start3A_92 : memref<1x20000xi32, #tpu.memory_space<hbm>> -> memref<20000xi32, #tpu.memory_space<hbm>>
      tpu.enqueue_dma source(%dma_start3A_93 : memref<20000xi32, #tpu.memory_space<hbm>>) target(%arg8 : memref<20000xi32, #tpu.memory_space<vmem>>) target_semaphore(%run_scoped3A_88 : memref<!tpu.dma_semaphore, #tpu.memory_space<semaphore_mem>>)
      %dma_wait3A = arith.constant 0 : i32
      %dma_wait3A_94 = tpu.memref_slice %arg2[%run_scoped3A_11, %dma_wait3A] : memref<2x20000xi32, #tpu.memory_space<hbm>> -> memref<1x20000xi32, #tpu.memory_space<hbm>>
      %dma_wait3A_95 = tpu.memref_squeeze %dma_wait3A_94 : memref<1x20000xi32, #tpu.memory_space<hbm>> -> memref<20000xi32, #tpu.memory_space<hbm>>
      %dma_wait3A_96 = arith.constant 0 : i32
      %dma_wait3A_97 = tpu.memref_slice %arg2[%run_scoped3A_11, %dma_wait3A_96] : memref<2x20000xi32, #tpu.memory_space<hbm>> -> memref<1x20000xi32, #tpu.memory_space<hbm>>
      %dma_wait3A_98 = tpu.memref_squeeze %dma_wait3A_97 : memref<1x20000xi32, #tpu.memory_space<hbm>> -> memref<20000xi32, #tpu.memory_space<hbm>>
      tpu.wait_dma2 semaphore(%run_scoped3A_88 : memref<!tpu.dma_semaphore, #tpu.memory_space<semaphore_mem>>) src(%dma_wait3A_98 : memref<20000xi32, #tpu.memory_space<hbm>>) dst(%arg8 : memref<20000xi32, #tpu.memory_space<vmem>>)
      tpu.yield
    }) : () -> ()
    %scan3A_12 = arith.constant 0 : i32
    %scan3A_13 = arith.constant 0 : i32
    %scan3A_14 = arith.constant 312 : i32
    %scan3A_15 = arith.addi %scan3A_13, %scan3A_14 : i32
    %scan3A_16 = arith.constant 1 : i32
    scf.for %scan3A_88 = %scan3A_13 to %scan3A_15 step %scan3A_16  : i32 {
      %mul3A_89 = arith.constant 4 : i32
      %mul3A_90 = arith.muli %scan3A_88, %mul3A_89 : i32
      %add3A_91 = arith.constant 0 : i32
      %add3A_92 = arith.addi %mul3A_90, %add3A_91 : i32
      %mul3A_93 = arith.constant 16 : i32
      %mul3A_94 = arith.muli %add3A_92, %mul3A_93 : i32
      %get3A_95 = arith.index_cast %mul3A_94 : i32 to index
      %get3A_96 = tpu.vector_load %arg7[%get3A_95] {strides = array<i32>} : memref<20000xi32, #tpu.memory_space<vmem>>, vector<16xi32>,
      %mul3A_97 = arith.constant 16 : i32
      %mul3A_98 = arith.muli %add3A_92, %mul3A_97 : i32
      %get3A_99 = arith.index_cast %mul3A_98 : i32 to index
      %get3A_100 = tpu.vector_load %arg8[%get3A_99] {strides = array<i32>} : memref<20000xi32, #tpu.memory_space<vmem>>, vector<16xi32>,
      %ge3A_101 = vector.broadcast %mul3A_2 : i32 to vector<16xi32>
      %ge3A_102 = arith.cmpi sge, %get3A_100, %ge3A_101 : vector<16xi32>
      %add3A_103 = arith.constant 32 : i32
      %add3A_104 = arith.addi %mul3A_2, %add3A_103 : i32
      %lt3A_105 = vector.broadcast %add3A_104 : i32 to vector<16xi32>
      %lt3A_106 = arith.cmpi slt, %get3A_100, %lt3A_105 : vector<16xi32>
      %and3A_107 = arith.andi %ge3A_102, %lt3A_106 : vector<16xi1>
      %sub3A_108 = vector.broadcast %mul3A_2 : i32 to vector<16xi32>
      %sub3A_109 = arith.subi %get3A_100, %sub3A_108 : vector<16xi32>
      %mul3A_110 = arith.constant 1024 : i32
      %mul3A_111 = vector.broadcast %mul3A_110 : i32 to vector<16xi32>
      %mul3A_112 = arith.muli %sub3A_109, %mul3A_111 : vector<16xi32>
      %add3A_113 = arith.addi %mul3A_112, %get3A_96 : vector<16xi32>
      %jit3A_114 = arith.constant 0 : i32
      %broadcast_in_dim3A_115 = vector.broadcast %jit3A_114 : i32 to vector<16xi32>
      %select_n3A_116 = arith.select %and3A_107, %add3A_113, %broadcast_in_dim3A_115 : vector<16xi1>, vector<16xi32>
      tpu.vector_store_idx %arg9[%select_n3A_116], %broadcast_in_dim3A_5 masked %and3A_107 {add = true} : memref<32768xf32, #tpu.memory_space<vmem>>[vector<16xi32>], vector<16xf32>, vector<16xi1>
      %mul3A_117 = arith.constant 4 : i32
      %mul3A_118 = arith.muli %scan3A_88, %mul3A_117 : i32
      %add3A_119 = arith.constant 1 : i32
      %add3A_120 = arith.addi %mul3A_118, %add3A_119 : i32
      %mul3A_121 = arith.constant 16 : i32
      %mul3A_122 = arith.muli %add3A_120, %mul3A_121 : i32
      %get3A_123 = arith.index_cast %mul3A_122 : i32 to index
      %get3A_124 = tpu.vector_load %arg7[%get3A_123] {strides = array<i32>} : memref<20000xi32, #tpu.memory_space<vmem>>, vector<16xi32>,
      %mul3A_125 = arith.constant 16 : i32
      %mul3A_126 = arith.muli %add3A_120, %mul3A_125 : i32
      %get3A_127 = arith.index_cast %mul3A_126 : i32 to index
      %get3A_128 = tpu.vector_load %arg8[%get3A_127] {strides = array<i32>} : memref<20000xi32, #tpu.memory_space<vmem>>, vector<16xi32>,
      %ge3A_129 = vector.broadcast %mul3A_2 : i32 to vector<16xi32>
      %ge3A_130 = arith.cmpi sge, %get3A_128, %ge3A_129 : vector<16xi32>
      %add3A_131 = arith.constant 32 : i32
      %add3A_132 = arith.addi %mul3A_2, %add3A_131 : i32
      %lt3A_133 = vector.broadcast %add3A_132 : i32 to vector<16xi32>
      %lt3A_134 = arith.cmpi slt, %get3A_128, %lt3A_133 : vector<16xi32>
      %and3A_135 = arith.andi %ge3A_130, %lt3A_134 : vector<16xi1>
      %sub3A_136 = vector.broadcast %mul3A_2 : i32 to vector<16xi32>
      %sub3A_137 = arith.subi %get3A_128, %sub3A_136 : vector<16xi32>
      %mul3A_138 = arith.constant 1024 : i32
      %mul3A_139 = vector.broadcast %mul3A_138 : i32 to vector<16xi32>
      %mul3A_140 = arith.muli %sub3A_137, %mul3A_139 : vector<16xi32>
      %add3A_141 = arith.addi %mul3A_140, %get3A_124 : vector<16xi32>
      %jit3A_142 = arith.constant 0 : i32
      %broadcast_in_dim3A_143 = vector.broadcast %jit3A_142 : i32 to vector<16xi32>
      %select_n3A_144 = arith.select %and3A_135, %add3A_141, %broadcast_in_dim3A_143 : vector<16xi1>, vector<16xi32>
      tpu.vector_store_idx %arg9[%select_n3A_144], %broadcast_in_dim3A_5 masked %and3A_135 {add = true} : memref<32768xf32, #tpu.memory_space<vmem>>[vector<16xi32>], vector<16xf32>, vector<16xi1>
      %mul3A_145 = arith.constant 4 : i32
      %mul3A_146 = arith.muli %scan3A_88, %mul3A_145 : i32
      %add3A_147 = arith.constant 2 : i32
      %add3A_148 = arith.addi %mul3A_146, %add3A_147 : i32
      %mul3A_149 = arith.constant 16 : i32
      %mul3A_150 = arith.muli %add3A_148, %mul3A_149 : i32
      %get3A_151 = arith.index_cast %mul3A_150 : i32 to index
      %get3A_152 = tpu.vector_load %arg7[%get3A_151] {strides = array<i32>} : memref<20000xi32, #tpu.memory_space<vmem>>, vector<16xi32>,
      %mul3A_153 = arith.constant 16 : i32
      %mul3A_154 = arith.muli %add3A_148, %mul3A_153 : i32
      %get3A_155 = arith.index_cast %mul3A_154 : i32 to index
      %get3A_156 = tpu.vector_load %arg8[%get3A_155] {strides = array<i32>} : memref<20000xi32, #tpu.memory_space<vmem>>, vector<16xi32>,
      %ge3A_157 = vector.broadcast %mul3A_2 : i32 to vector<16xi32>
      %ge3A_158 = arith.cmpi sge, %get3A_156, %ge3A_157 : vector<16xi32>
      %add3A_159 = arith.constant 32 : i32
      %add3A_160 = arith.addi %mul3A_2, %add3A_159 : i32
      %lt3A_161 = vector.broadcast %add3A_160 : i32 to vector<16xi32>
      %lt3A_162 = arith.cmpi slt, %get3A_156, %lt3A_161 : vector<16xi32>
      %and3A_163 = arith.andi %ge3A_158, %lt3A_162 : vector<16xi1>
      %sub3A_164 = vector.broadcast %mul3A_2 : i32 to vector<16xi32>
      %sub3A_165 = arith.subi %get3A_156, %sub3A_164 : vector<16xi32>
      %mul3A_166 = arith.constant 1024 : i32
      %mul3A_167 = vector.broadcast %mul3A_166 : i32 to vector<16xi32>
      %mul3A_168 = arith.muli %sub3A_165, %mul3A_167 : vector<16xi32>
      %add3A_169 = arith.addi %mul3A_168, %get3A_152 : vector<16xi32>
      %jit3A_170 = arith.constant 0 : i32
      %broadcast_in_dim3A_171 = vector.broadcast %jit3A_170 : i32 to vector<16xi32>
      %select_n3A_172 = arith.select %and3A_163, %add3A_169, %broadcast_in_dim3A_171 : vector<16xi1>, vector<16xi32>
      tpu.vector_store_idx %arg9[%select_n3A_172], %broadcast_in_dim3A_5 masked %and3A_163 {add = true} : memref<32768xf32, #tpu.memory_space<vmem>>[vector<16xi32>], vector<16xf32>, vector<16xi1>
      %mul3A_173 = arith.constant 4 : i32
      %mul3A_174 = arith.muli %scan3A_88, %mul3A_173 : i32
      %add3A_175 = arith.constant 3 : i32
      %add3A_176 = arith.addi %mul3A_174, %add3A_175 : i32
      %mul3A_177 = arith.constant 16 : i32
      %mul3A_178 = arith.muli %add3A_176, %mul3A_177 : i32
      %get3A_179 = arith.index_cast %mul3A_178 : i32 to index
      %get3A_180 = tpu.vector_load %arg7[%get3A_179] {strides = array<i32>} : memref<20000xi32, #tpu.memory_space<vmem>>, vector<16xi32>,
      %mul3A_181 = arith.constant 16 : i32
      %mul3A_182 = arith.muli %add3A_176, %mul3A_181 : i32
      %get3A_183 = arith.index_cast %mul3A_182 : i32 to index
      %get3A_184 = tpu.vector_load %arg8[%get3A_183] {strides = array<i32>} : memref<20000xi32, #tpu.memory_space<vmem>>, vector<16xi32>,
      %ge3A_185 = vector.broadcast %mul3A_2 : i32 to vector<16xi32>
      %ge3A_186 = arith.cmpi sge, %get3A_184, %ge3A_185 : vector<16xi32>
      %add3A_187 = arith.constant 32 : i32
      %add3A_188 = arith.addi %mul3A_2, %add3A_187 : i32
      %lt3A_189 = vector.broadcast %add3A_188 : i32 to vector<16xi32>
      %lt3A_190 = arith.cmpi slt, %get3A_184, %lt3A_189 : vector<16xi32>
      %and3A_191 = arith.andi %ge3A_186, %lt3A_190 : vector<16xi1>
      %sub3A_192 = vector.broadcast %mul3A_2 : i32 to vector<16xi32>
      %sub3A_193 = arith.subi %get3A_184, %sub3A_192 : vector<16xi32>
      %mul3A_194 = arith.constant 1024 : i32
      %mul3A_195 = vector.broadcast %mul3A_194 : i32 to vector<16xi32>
      %mul3A_196 = arith.muli %sub3A_193, %mul3A_195 : vector<16xi32>
      %add3A_197 = arith.addi %mul3A_196, %get3A_180 : vector<16xi32>
      %jit3A_198 = arith.constant 0 : i32
      %broadcast_in_dim3A_199 = vector.broadcast %jit3A_198 : i32 to vector<16xi32>
      %select_n3A_200 = arith.select %and3A_191, %add3A_197, %broadcast_in_dim3A_199 : vector<16xi1>, vector<16xi32>
      tpu.vector_store_idx %arg9[%select_n3A_200], %broadcast_in_dim3A_5 masked %and3A_191 {add = true} : memref<32768xf32, #tpu.memory_space<vmem>>[vector<16xi32>], vector<16xf32>, vector<16xi1>
    }
    %scan3A_17 = arith.constant 312 : i32
    %get3A = arith.constant 19968 : index
    %get3A_18 = tpu.vector_load %arg7[%get3A] {strides = array<i32>} : memref<20000xi32, #tpu.memory_space<vmem>>, vector<16xi32>,
    %get3A_19 = arith.constant 19968 : index
    %get3A_20 = tpu.vector_load %arg8[%get3A_19] {strides = array<i32>} : memref<20000xi32, #tpu.memory_space<vmem>>, vector<16xi32>,
    %ge3A = vector.broadcast %mul3A_2 : i32 to vector<16xi32>
    %ge3A_21 = arith.cmpi sge, %get3A_20, %ge3A : vector<16xi32>
    %add3A_22 = arith.constant 32 : i32
    %add3A_23 = arith.addi %mul3A_2, %add3A_22 : i32
    %lt3A = vector.broadcast %add3A_23 : i32 to vector<16xi32>
    %lt3A_24 = arith.cmpi slt, %get3A_20, %lt3A : vector<16xi32>
    %and3A = arith.andi %ge3A_21, %lt3A_24 : vector<16xi1>
    %sub3A = vector.broadcast %mul3A_2 : i32 to vector<16xi32>
    %sub3A_25 = arith.subi %get3A_20, %sub3A : vector<16xi32>
    %mul3A_26 = arith.constant 1024 : i32
    %mul3A_27 = vector.broadcast %mul3A_26 : i32 to vector<16xi32>
    %mul3A_28 = arith.muli %sub3A_25, %mul3A_27 : vector<16xi32>
    %add3A_29 = arith.addi %mul3A_28, %get3A_18 : vector<16xi32>
    %jit3A = arith.constant 0 : i32
    %broadcast_in_dim3A_30 = vector.broadcast %jit3A : i32 to vector<16xi32>
    %select_n3A = arith.select %and3A, %add3A_29, %broadcast_in_dim3A_30 : vector<16xi1>, vector<16xi32>
    tpu.vector_store_idx %arg9[%select_n3A], %broadcast_in_dim3A_5 masked %and3A {add = true} : memref<32768xf32, #tpu.memory_space<vmem>>[vector<16xi32>], vector<16xf32>, vector<16xi1>
    %get3A_31 = arith.constant 19984 : index
    %get3A_32 = tpu.vector_load %arg7[%get3A_31] {strides = array<i32>} : memref<20000xi32, #tpu.memory_space<vmem>>, vector<16xi32>,
    %get3A_33 = arith.constant 19984 : index
    %get3A_34 = tpu.vector_load %arg8[%get3A_33] {strides = array<i32>} : memref<20000xi32, #tpu.memory_space<vmem>>, vector<16xi32>,
    %ge3A_35 = vector.broadcast %mul3A_2 : i32 to vector<16xi32>
    %ge3A_36 = arith.cmpi sge, %get3A_34, %ge3A_35 : vector<16xi32>
    %add3A_37 = arith.constant 32 : i32
    %add3A_38 = arith.addi %mul3A_2, %add3A_37 : i32
    %lt3A_39 = vector.broadcast %add3A_38 : i32 to vector<16xi32>
    %lt3A_40 = arith.cmpi slt, %get3A_34, %lt3A_39 : vector<16xi32>
    %and3A_41 = arith.andi %ge3A_36, %lt3A_40 : vector<16xi1>
    %sub3A_42 = vector.broadcast %mul3A_2 : i32 to vector<16xi32>
    %sub3A_43 = arith.subi %get3A_34, %sub3A_42 : vector<16xi32>
    %mul3A_44 = arith.constant 1024 : i32
    %mul3A_45 = vector.broadcast %mul3A_44 : i32 to vector<16xi32>
    %mul3A_46 = arith.muli %sub3A_43, %mul3A_45 : vector<16xi32>
    %add3A_47 = arith.addi %mul3A_46, %get3A_32 : vector<16xi32>
    %jit3A_48 = arith.constant 0 : i32
    %broadcast_in_dim3A_49 = vector.broadcast %jit3A_48 : i32 to vector<16xi32>
    %select_n3A_50 = arith.select %and3A_41, %add3A_47, %broadcast_in_dim3A_49 : vector<16xi1>, vector<16xi32>
    tpu.vector_store_idx %arg9[%select_n3A_50], %broadcast_in_dim3A_5 masked %and3A_41 {add = true} : memref<32768xf32, #tpu.memory_space<vmem>>[vector<16xi32>], vector<16xf32>, vector<16xi1>
    %add3A_51 = arith.constant 0 : i32
    %add3A_52 = arith.addi %mul3A_2, %add3A_51 : i32
    %add3A_53 = vector.broadcast %add3A_52 : i32 to vector<16xi32>
    %add3A_54 = arith.addi %add3A_53, %iota3A : vector<16xi32>
    %lt3A_55 = arith.constant 978 : i32
    %lt3A_56 = vector.broadcast %lt3A_55 : i32 to vector<16xi32>
    %lt3A_57 = arith.cmpi slt, %add3A_54, %lt3A_56 : vector<16xi32>
    %sub3A_58 = vector.broadcast %mul3A_2 : i32 to vector<16xi32>
    %sub3A_59 = arith.subi %add3A_54, %sub3A_58 : vector<16xi32>
    %mul3A_60 = arith.constant 1024 : i32
    %mul3A_61 = vector.broadcast %mul3A_60 : i32 to vector<16xi32>
    %mul3A_62 = arith.muli %sub3A_59, %mul3A_61 : vector<16xi32>
    %add3A_63 = arith.addi %mul3A_62, %add3A_54 : vector<16xi32>
    %jit3A_64 = arith.constant 0 : i32
    %broadcast_in_dim3A_65 = vector.broadcast %jit3A_64 : i32 to vector<16xi32>
    %select_n3A_66 = arith.select %lt3A_57, %add3A_63, %broadcast_in_dim3A_65 : vector<16xi1>, vector<16xi32>
    tpu.vector_store_idx %arg9[%select_n3A_66], %broadcast_in_dim3A_5 masked %lt3A_57 {add = true} : memref<32768xf32, #tpu.memory_space<vmem>>[vector<16xi32>], vector<16xf32>, vector<16xi1>
    %add3A_67 = arith.constant 16 : i32
    %add3A_68 = arith.addi %mul3A_2, %add3A_67 : i32
    %add3A_69 = vector.broadcast %add3A_68 : i32 to vector<16xi32>
    %add3A_70 = arith.addi %add3A_69, %iota3A : vector<16xi32>
    %lt3A_71 = arith.constant 978 : i32
    %lt3A_72 = vector.broadcast %lt3A_71 : i32 to vector<16xi32>
    %lt3A_73 = arith.cmpi slt, %add3A_70, %lt3A_72 : vector<16xi32>
    %sub3A_74 = vector.broadcast %mul3A_2 : i32 to vector<16xi32>
    %sub3A_75 = arith.subi %add3A_70, %sub3A_74 : vector<16xi32>
    %mul3A_76 = arith.constant 1024 : i32
    %mul3A_77 = vector.broadcast %mul3A_76 : i32 to vector<16xi32>
    %mul3A_78 = arith.muli %sub3A_75, %mul3A_77 : vector<16xi32>
    %add3A_79 = arith.addi %mul3A_78, %add3A_70 : vector<16xi32>
    %jit3A_80 = arith.constant 0 : i32
    %broadcast_in_dim3A_81 = vector.broadcast %jit3A_80 : i32 to vector<16xi32>
    %select_n3A_82 = arith.select %lt3A_73, %add3A_79, %broadcast_in_dim3A_81 : vector<16xi1>, vector<16xi32>
    tpu.vector_store_idx %arg9[%select_n3A_82], %broadcast_in_dim3A_5 masked %lt3A_73 {add = true} : memref<32768xf32, #tpu.memory_space<vmem>>[vector<16xi32>], vector<16xf32>, vector<16xi1>
    %mul3A_83 = arith.constant 1024 : i32
    %mul3A_84 = arith.muli %mul3A_2, %mul3A_83 : i32
    "tpu.region"() ({
      %run_scoped3A_88 = tpu.sem_alloc : memref<!tpu.dma_semaphore, #tpu.memory_space<semaphore_mem>>
      %dma_start3A = tpu.memref_slice %arg5[%mul3A_84] : memref<1048576xf32, #tpu.memory_space<hbm>> -> memref<32768xf32, #tpu.memory_space<hbm>>
      %dma_start3A_89 = tpu.memref_slice %arg5[%mul3A_84] : memref<1048576xf32, #tpu.memory_space<hbm>> -> memref<32768xf32, #tpu.memory_space<hbm>>
      tpu.enqueue_dma source(%arg9 : memref<32768xf32, #tpu.memory_space<vmem>>) target(%dma_start3A_89 : memref<32768xf32, #tpu.memory_space<hbm>>) target_semaphore(%run_scoped3A_88 : memref<!tpu.dma_semaphore, #tpu.memory_space<semaphore_mem>>)
      %dma_wait3A = tpu.memref_slice %arg5[%mul3A_84] : memref<1048576xf32, #tpu.memory_space<hbm>> -> memref<32768xf32, #tpu.memory_space<hbm>>
      %dma_wait3A_90 = tpu.memref_slice %arg5[%mul3A_84] : memref<1048576xf32, #tpu.memory_space<hbm>> -> memref<32768xf32, #tpu.memory_space<hbm>>
      tpu.wait_dma2 semaphore(%run_scoped3A_88 : memref<!tpu.dma_semaphore, #tpu.memory_space<semaphore_mem>>) src(%arg9 : memref<32768xf32, #tpu.memory_space<vmem>>) dst(%dma_wait3A_90 : memref<32768xf32, #tpu.memory_space<hbm>>)
      tpu.yield
    }) : () -> ()
    %lt3A_85 = arith.constant 16 : i32
    %lt3A_86 = arith.cmpi slt, %add3A, %lt3A_85 : i32
    %convert_element_type3A = arith.extui %lt3A_86 : i1 to i32
    %cond3A = arith.constant 0 : i32
    %cond3A_87 = arith.cmpi ne, %convert_element_type3A, %cond3A : i32
    scf.if %cond3A_87 {
      "tpu.region"() ({
        %run_scoped3A_94 = tpu.sem_alloc : memref<!tpu.dma_semaphore, #tpu.memory_space<semaphore_mem>>
        tpu.enqueue_dma source(%arg3 : memref<1024xi32, #tpu.memory_space<hbm>>) target(%arg10 : memref<1024xi32, #tpu.memory_space<vmem>>) target_semaphore(%run_scoped3A_94 : memref<!tpu.dma_semaphore, #tpu.memory_space<semaphore_mem>>)
        tpu.wait_dma2 semaphore(%run_scoped3A_94 : memref<!tpu.dma_semaphore, #tpu.memory_space<semaphore_mem>>) src(%arg3 : memref<1024xi32, #tpu.memory_space<hbm>>) dst(%arg10 : memref<1024xi32, #tpu.memory_space<vmem>>)
        tpu.yield
      }) : () -> ()
      "tpu.region"() ({
        %run_scoped3A_94 = tpu.sem_alloc : memref<!tpu.dma_semaphore, #tpu.memory_space<semaphore_mem>>
        %dma_start3A = arith.constant 0 : i32
        %dma_start3A_95 = tpu.memref_slice %arg4[%add3A, %dma_start3A] : memref<16x12328xf32, #tpu.memory_space<hbm>> -> memref<1x12328xf32, #tpu.memory_space<hbm>>
        %dma_start3A_96 = tpu.memref_squeeze %dma_start3A_95 : memref<1x12328xf32, #tpu.memory_space<hbm>> -> memref<12328xf32, #tpu.memory_space<hbm>>
        %dma_start3A_97 = arith.constant 0 : i32
        %dma_start3A_98 = tpu.memref_slice %arg4[%add3A, %dma_start3A_97] : memref<16x12328xf32, #tpu.memory_space<hbm>> -> memref<1x12328xf32, #tpu.memory_space<hbm>>
        %dma_start3A_99 = tpu.memref_squeeze %dma_start3A_98 : memref<1x12328xf32, #tpu.memory_space<hbm>> -> memref<12328xf32, #tpu.memory_space<hbm>>
        tpu.enqueue_dma source(%dma_start3A_99 : memref<12328xf32, #tpu.memory_space<hbm>>) target(%arg11 : memref<12328xf32, #tpu.memory_space<vmem>>) target_semaphore(%run_scoped3A_94 : memref<!tpu.dma_semaphore, #tpu.memory_space<semaphore_mem>>)
        %dma_wait3A = arith.constant 0 : i32
        %dma_wait3A_100 = tpu.memref_slice %arg4[%add3A, %dma_wait3A] : memref<16x12328xf32, #tpu.memory_space<hbm>> -> memref<1x12328xf32, #tpu.memory_space<hbm>>
        %dma_wait3A_101 = tpu.memref_squeeze %dma_wait3A_100 : memref<1x12328xf32, #tpu.memory_space<hbm>> -> memref<12328xf32, #tpu.memory_space<hbm>>
        %dma_wait3A_102 = arith.constant 0 : i32
        %dma_wait3A_103 = tpu.memref_slice %arg4[%add3A, %dma_wait3A_102] : memref<16x12328xf32, #tpu.memory_space<hbm>> -> memref<1x12328xf32, #tpu.memory_space<hbm>>
        %dma_wait3A_104 = tpu.memref_squeeze %dma_wait3A_103 : memref<1x12328xf32, #tpu.memory_space<hbm>> -> memref<12328xf32, #tpu.memory_space<hbm>>
        tpu.wait_dma2 semaphore(%run_scoped3A_94 : memref<!tpu.dma_semaphore, #tpu.memory_space<semaphore_mem>>) src(%dma_wait3A_104 : memref<12328xf32, #tpu.memory_space<hbm>>) dst(%arg11 : memref<12328xf32, #tpu.memory_space<vmem>>)
        tpu.yield
      }) : () -> ()
      %scan3A_88 = arith.constant 0 : i32
      %scan3A_89 = arith.constant 0 : i32
      %scan3A_90 = arith.constant 64 : i32
      %scan3A_91 = arith.addi %scan3A_89, %scan3A_90 : i32
      %scan3A_92 = arith.constant 1 : i32
      scf.for %scan3A_94 = %scan3A_89 to %scan3A_91 step %scan3A_92  : i32 {
        %mul3A_95 = arith.constant 16 : i32
        %mul3A_96 = arith.muli %scan3A_94, %mul3A_95 : i32
        %get3A_97 = arith.index_cast %mul3A_96 : i32 to index
        %get3A_98 = tpu.vector_load %arg10[%get3A_97] {strides = array<i32>} : memref<1024xi32, #tpu.memory_space<vmem>>, vector<16xi32>,
        %gather3A = tpu.vector_load_idx %arg11[%get3A_98] : memref<12328xf32, #tpu.memory_space<vmem>>[vector<16xi32>], vector<16xf32>,
        %mul3A_99 = arith.constant 16 : i32
        %mul3A_100 = arith.muli %scan3A_94, %mul3A_99 : i32
        %swap3A = arith.index_cast %mul3A_100 : i32 to index
        %swap3A_101 = tpu.vector_load %arg12[%swap3A] {strides = array<i32>} : memref<1024xf32, #tpu.memory_space<vmem>>, vector<16xf32>,
        tpu.vector_store %arg12[%swap3A], %gather3A {strides = array<i32>} : memref<1024xf32, #tpu.memory_space<vmem>>, vector<16xf32>,
      }
      %scan3A_93 = arith.constant 64 : i32
      "tpu.region"() ({
        %run_scoped3A_94 = tpu.sem_alloc : memref<!tpu.dma_semaphore, #tpu.memory_space<semaphore_mem>>
        %dma_start3A = arith.constant 0 : i32
        %dma_start3A_95 = tpu.memref_slice %arg6[%add3A, %dma_start3A] : memref<16x1024xf32, #tpu.memory_space<hbm>> -> memref<1x1024xf32, #tpu.memory_space<hbm>>
        %dma_start3A_96 = tpu.memref_squeeze %dma_start3A_95 : memref<1x1024xf32, #tpu.memory_space<hbm>> -> memref<1024xf32, #tpu.memory_space<hbm>>
        %dma_start3A_97 = arith.constant 0 : i32
        %dma_start3A_98 = tpu.memref_slice %arg6[%add3A, %dma_start3A_97] : memref<16x1024xf32, #tpu.memory_space<hbm>> -> memref<1x1024xf32, #tpu.memory_space<hbm>>
        %dma_start3A_99 = tpu.memref_squeeze %dma_start3A_98 : memref<1x1024xf32, #tpu.memory_space<hbm>> -> memref<1024xf32, #tpu.memory_space<hbm>>
        tpu.enqueue_dma source(%arg12 : memref<1024xf32, #tpu.memory_space<vmem>>) target(%dma_start3A_99 : memref<1024xf32, #tpu.memory_space<hbm>>) target_semaphore(%run_scoped3A_94 : memref<!tpu.dma_semaphore, #tpu.memory_space<semaphore_mem>>)
        %dma_wait3A = arith.constant 0 : i32
        %dma_wait3A_100 = tpu.memref_slice %arg6[%add3A, %dma_wait3A] : memref<16x1024xf32, #tpu.memory_space<hbm>> -> memref<1x1024xf32, #tpu.memory_space<hbm>>
        %dma_wait3A_101 = tpu.memref_squeeze %dma_wait3A_100 : memref<1x1024xf32, #tpu.memory_space<hbm>> -> memref<1024xf32, #tpu.memory_space<hbm>>
        %dma_wait3A_102 = arith.constant 0 : i32
        %dma_wait3A_103 = tpu.memref_slice %arg6[%add3A, %dma_wait3A_102] : memref<16x1024xf32, #tpu.memory_space<hbm>> -> memref<1x1024xf32, #tpu.memory_space<hbm>>
        %dma_wait3A_104 = tpu.memref_squeeze %dma_wait3A_103 : memref<1x1024xf32, #tpu.memory_space<hbm>> -> memref<1024xf32, #tpu.memory_space<hbm>>
        tpu.wait_dma2 semaphore(%run_scoped3A_94 : memref<!tpu.dma_semaphore, #tpu.memory_space<semaphore_mem>>) src(%arg12 : memref<1024xf32, #tpu.memory_space<vmem>>) dst(%dma_wait3A_104 : memref<1024xf32, #tpu.memory_space<hbm>>)
        tpu.yield
      }) : () -> ()
    } else {
    }
    return
  }
}

module attributes {stable_mosaic.version = 14 : i64} {
  func.func @_prep_drug_body(%arg0: memref<16x2048xf32, #tpu.memory_space<vmem>>, %arg1: memref<16x1xf32, #tpu.memory_space<vmem>>, %arg2: memref<16x1xf32, #tpu.memory_space<vmem>>, %arg3: memref<2048x1408xf32, #tpu.memory_space<vmem>>, %arg4: memref<1x1408xf32, #tpu.memory_space<vmem>>, %arg5: memref<1408x768xf32, #tpu.memory_space<vmem>>, %arg6: memref<1x768xf32, #tpu.memory_space<vmem>>, %arg7: memref<768x128xf32, #tpu.memory_space<vmem>>, %arg8: memref<1x128xf32, #tpu.memory_space<vmem>>, %arg9: memref<1x2048xf32, #tpu.memory_space<vmem>>, %arg10: memref<1x2048xf32, #tpu.memory_space<vmem>>, %arg11: memref<1x1xf32, #tpu.memory_space<vmem>>, %arg12: memref<1x1xf32, #tpu.memory_space<vmem>>, %arg13: memref<1x1xf32, #tpu.memory_space<vmem>>, %arg14: memref<1x1xf32, #tpu.memory_space<vmem>>, %arg15: memref<16x128xf32, #tpu.memory_space<vmem>>, %arg16: memref<16x1xf32, #tpu.memory_space<vmem>>, %arg17: memref<16x1xf32, #tpu.memory_space<vmem>>) attributes {dimension_semantics = [], scalar_prefetch = 0 : i64, scratch_operands = 0 : i64, tpu.core_type = #tpu.core_type<tc>} {
    %get3A = arith.constant 0 : index
    %get3A_0 = arith.constant 0 : index
    %get3A_1 = vector.load %arg0[%get3A, %get3A_0] : memref<16x2048xf32, #tpu.memory_space<vmem>>, vector<16x2048xf32>
    %get3A_2 = arith.constant 0 : index
    %get3A_3 = arith.constant 0 : index
    %get3A_4 = vector.load %arg9[%get3A_2, %get3A_3] : memref<1x2048xf32, #tpu.memory_space<vmem>>, vector<1x2048xf32>
    %get3A_5 = arith.constant 0 : index
    %get3A_6 = arith.constant 0 : index
    %get3A_7 = vector.load %arg10[%get3A_5, %get3A_6] : memref<1x2048xf32, #tpu.memory_space<vmem>>, vector<1x2048xf32>
    %reduce_sum3A = arith.constant dense<0.000000e+00> : vector<2048xf32>
    %reduce_sum3A_8 = vector.multi_reduction <add>, %get3A_1, %reduce_sum3A [0] : vector<16x2048xf32> to vector<2048xf32>
    %broadcast_in_dim3A = vector.shape_cast %reduce_sum3A_8 : vector<2048xf32> to vector<1x2048xf32>
    %div3A = arith.constant 1.600000e+01 : f32
    %div3A_9 = vector.broadcast %div3A : f32 to vector<1x2048xf32>
    %div3A_10 = arith.divf %broadcast_in_dim3A, %div3A_9 : vector<1x2048xf32>
    %jit3A = arith.constant 0 : i32
    %reduce_sum3A_11 = arith.constant dense<0.000000e+00> : vector<2048xf32>
    %reduce_sum3A_12 = vector.multi_reduction <add>, %get3A_1, %reduce_sum3A_11 [0] : vector<16x2048xf32> to vector<2048xf32>
    %broadcast_in_dim3A_13 = vector.shape_cast %reduce_sum3A_12 : vector<2048xf32> to vector<1x2048xf32>
    %div3A_14 = arith.constant 1.600000e+01 : f32
    %div3A_15 = vector.broadcast %div3A_14 : f32 to vector<1x2048xf32>
    %div3A_16 = arith.divf %broadcast_in_dim3A_13, %div3A_15 : vector<1x2048xf32>
    %sub3A = vector.broadcast %div3A_16 : vector<1x2048xf32> to vector<16x2048xf32>
    %sub3A_17 = arith.subf %get3A_1, %sub3A : vector<16x2048xf32>
    %square3A = arith.mulf %sub3A_17, %sub3A_17 : vector<16x2048xf32>
    %convert_element_type3A = arith.sitofp %jit3A : i32 to f32
    %sub3A_18 = arith.constant 1.600000e+01 : f32
    %sub3A_19 = arith.subf %sub3A_18, %convert_element_type3A : f32
    %reduce_sum3A_20 = arith.constant dense<0.000000e+00> : vector<2048xf32>
    %reduce_sum3A_21 = vector.multi_reduction <add>, %square3A, %reduce_sum3A_20 [0] : vector<16x2048xf32> to vector<2048xf32>
    %broadcast_in_dim3A_22 = vector.shape_cast %reduce_sum3A_21 : vector<2048xf32> to vector<1x2048xf32>
    %div3A_23 = vector.broadcast %sub3A_19 : f32 to vector<1x2048xf32>
    %div3A_24 = arith.divf %broadcast_in_dim3A_22, %div3A_23 : vector<1x2048xf32>
    %gt3A = arith.constant 0.000000e+00 : f32
    %gt3A_25 = arith.cmpf ogt, %sub3A_19, %gt3A : f32
    %jit3A_26 = arith.constant 0x7FC00000 : f32
    %broadcast_in_dim3A_27 = vector.broadcast %jit3A_26 : f32 to vector<1x2048xf32>
    %select_n3A = arith.select %gt3A_25, %div3A_24, %broadcast_in_dim3A_27 : vector<1x2048xf32>
    %sub3A_28 = vector.broadcast %div3A_10 : vector<1x2048xf32> to vector<16x2048xf32>
    %sub3A_29 = arith.subf %get3A_1, %sub3A_28 : vector<16x2048xf32>
    %add3A = arith.constant 9.99999974E-6 : f32
    %add3A_30 = vector.broadcast %add3A : f32 to vector<1x2048xf32>
    %add3A_31 = arith.addf %select_n3A, %add3A_30 : vector<1x2048xf32>
    %sqrt3A = math.sqrt %add3A_31 : vector<1x2048xf32>
    %div3A_32 = vector.broadcast %sqrt3A : vector<1x2048xf32> to vector<16x2048xf32>
    %div3A_33 = arith.divf %sub3A_29, %div3A_32 : vector<16x2048xf32>
    %mul3A = vector.broadcast %get3A_4 : vector<1x2048xf32> to vector<16x2048xf32>
    %mul3A_34 = arith.mulf %div3A_33, %mul3A : vector<16x2048xf32>
    %add3A_35 = vector.broadcast %get3A_7 : vector<1x2048xf32> to vector<16x2048xf32>
    %add3A_36 = arith.addf %mul3A_34, %add3A_35 : vector<16x2048xf32>
    %get3A_37 = arith.constant 0 : index
    %get3A_38 = arith.constant 0 : index
    %get3A_39 = vector.load %arg3[%get3A_37, %get3A_38] : memref<2048x1408xf32, #tpu.memory_space<vmem>>, vector<2048x1408xf32>
    %dot_general3A = arith.constant dense<0.000000e+00> : vector<16x1408xf32>
    %dot_general3A_40 = tpu.matmul %add3A_36, %get3A_39, %dot_general3A {dimension_numbers = #tpu.dot_dimension_numbers<[1], [0], [0], [1], [0, 0, 1, 1], [], []>, transpose_lhs_hint = false} : vector<16x2048xf32>, vector<2048x1408xf32>, vector<16x1408xf32> -> vector<16x1408xf32>
    %get3A_41 = arith.constant 0 : index
    %get3A_42 = arith.constant 0 : index
    %get3A_43 = vector.load %arg4[%get3A_41, %get3A_42] : memref<1x1408xf32, #tpu.memory_space<vmem>>, vector<1x1408xf32>
    %add3A_44 = vector.broadcast %get3A_43 : vector<1x1408xf32> to vector<16x1408xf32>
    %add3A_45 = arith.addf %dot_general3A_40, %add3A_44 : vector<16x1408xf32>
    %max3A = arith.constant 0.000000e+00 : f32
    %max3A_46 = vector.broadcast %max3A : f32 to vector<16x1408xf32>
    %max3A_47 = arith.maximumf %add3A_45, %max3A_46 : vector<16x1408xf32>
    %get3A_48 = arith.constant 0 : index
    %get3A_49 = arith.constant 0 : index
    %get3A_50 = vector.load %arg5[%get3A_48, %get3A_49] : memref<1408x768xf32, #tpu.memory_space<vmem>>, vector<1408x768xf32>
    %dot_general3A_51 = arith.constant dense<0.000000e+00> : vector<16x768xf32>
    %dot_general3A_52 = tpu.matmul %max3A_47, %get3A_50, %dot_general3A_51 {dimension_numbers = #tpu.dot_dimension_numbers<[1], [0], [0], [1], [0, 0, 1, 1], [], []>, transpose_lhs_hint = false} : vector<16x1408xf32>, vector<1408x768xf32>, vector<16x768xf32> -> vector<16x768xf32>
    %get3A_53 = arith.constant 0 : index
    %get3A_54 = arith.constant 0 : index
    %get3A_55 = vector.load %arg6[%get3A_53, %get3A_54] : memref<1x768xf32, #tpu.memory_space<vmem>>, vector<1x768xf32>
    %add3A_56 = vector.broadcast %get3A_55 : vector<1x768xf32> to vector<16x768xf32>
    %add3A_57 = arith.addf %dot_general3A_52, %add3A_56 : vector<16x768xf32>
    %max3A_58 = arith.constant 0.000000e+00 : f32
    %max3A_59 = vector.broadcast %max3A_58 : f32 to vector<16x768xf32>
    %max3A_60 = arith.maximumf %add3A_57, %max3A_59 : vector<16x768xf32>
    %get3A_61 = arith.constant 0 : index
    %get3A_62 = arith.constant 0 : index
    %get3A_63 = vector.load %arg7[%get3A_61, %get3A_62] : memref<768x128xf32, #tpu.memory_space<vmem>>, vector<768x128xf32>
    %dot_general3A_64 = arith.constant dense<0.000000e+00> : vector<16x128xf32>
    %dot_general3A_65 = tpu.matmul %max3A_60, %get3A_63, %dot_general3A_64 {dimension_numbers = #tpu.dot_dimension_numbers<[1], [0], [0], [1], [0, 0, 1, 1], [], []>, transpose_lhs_hint = false} : vector<16x768xf32>, vector<768x128xf32>, vector<16x128xf32> -> vector<16x128xf32>
    %get3A_66 = arith.constant 0 : index
    %get3A_67 = arith.constant 0 : index
    %get3A_68 = vector.load %arg8[%get3A_66, %get3A_67] : memref<1x128xf32, #tpu.memory_space<vmem>>, vector<1x128xf32>
    %add3A_69 = vector.broadcast %get3A_68 : vector<1x128xf32> to vector<16x128xf32>
    %add3A_70 = arith.addf %dot_general3A_65, %add3A_69 : vector<16x128xf32>
    %max3A_71 = arith.constant 0.000000e+00 : f32
    %max3A_72 = vector.broadcast %max3A_71 : f32 to vector<16x128xf32>
    %max3A_73 = arith.maximumf %add3A_70, %max3A_72 : vector<16x128xf32>
    %swap3A = arith.constant 0 : index
    %swap3A_74 = arith.constant 0 : index
    %swap3A_75 = vector.load %arg15[%swap3A, %swap3A_74] : memref<16x128xf32, #tpu.memory_space<vmem>>, vector<16x128xf32>
    tpu.vector_store %arg15[%swap3A, %swap3A_74], %max3A_73 {strides = array<i32>} : memref<16x128xf32, #tpu.memory_space<vmem>>, vector<16x128xf32>,
    %get3A_76 = arith.constant 0 : index
    %get3A_77 = arith.constant 0 : index
    %get3A_78 = vector.load %arg1[%get3A_76, %get3A_77] : memref<16x1xf32, #tpu.memory_space<vmem>>, vector<16x1xf32>
    %get3A_79 = arith.constant 0 : index
    %get3A_80 = arith.constant 0 : index
    %get3A_81 = vector.load %arg11[%get3A_79, %get3A_80] : memref<1x1xf32, #tpu.memory_space<vmem>>, vector<1x1xf32>
    %get3A_82 = arith.constant 0 : index
    %get3A_83 = arith.constant 0 : index
    %get3A_84 = vector.load %arg12[%get3A_82, %get3A_83] : memref<1x1xf32, #tpu.memory_space<vmem>>, vector<1x1xf32>
    %reduce_sum3A_85 = arith.constant dense<0.000000e+00> : vector<1xf32>
    %reduce_sum3A_86 = vector.multi_reduction <add>, %get3A_78, %reduce_sum3A_85 [0] : vector<16x1xf32> to vector<1xf32>
    %broadcast_in_dim3A_87 = vector.shape_cast %reduce_sum3A_86 : vector<1xf32> to vector<1x1xf32>
    %div3A_88 = arith.constant 1.600000e+01 : f32
    %div3A_89 = vector.broadcast %div3A_88 : f32 to vector<1x1xf32>
    %div3A_90 = arith.divf %broadcast_in_dim3A_87, %div3A_89 : vector<1x1xf32>
    %jit3A_91 = arith.constant 0 : i32
    %reduce_sum3A_92 = arith.constant dense<0.000000e+00> : vector<1xf32>
    %reduce_sum3A_93 = vector.multi_reduction <add>, %get3A_78, %reduce_sum3A_92 [0] : vector<16x1xf32> to vector<1xf32>
    %broadcast_in_dim3A_94 = vector.shape_cast %reduce_sum3A_93 : vector<1xf32> to vector<1x1xf32>
    %div3A_95 = arith.constant 1.600000e+01 : f32
    %div3A_96 = vector.broadcast %div3A_95 : f32 to vector<1x1xf32>
    %div3A_97 = arith.divf %broadcast_in_dim3A_94, %div3A_96 : vector<1x1xf32>
    %sub3A_98 = vector.broadcast %div3A_97 : vector<1x1xf32> to vector<16x1xf32>
    %sub3A_99 = arith.subf %get3A_78, %sub3A_98 : vector<16x1xf32>
    %square3A_100 = arith.mulf %sub3A_99, %sub3A_99 : vector<16x1xf32>
    %convert_element_type3A_101 = arith.sitofp %jit3A_91 : i32 to f32
    %sub3A_102 = arith.constant 1.600000e+01 : f32
    %sub3A_103 = arith.subf %sub3A_102, %convert_element_type3A_101 : f32
    %reduce_sum3A_104 = arith.constant dense<0.000000e+00> : vector<1xf32>
    %reduce_sum3A_105 = vector.multi_reduction <add>, %square3A_100, %reduce_sum3A_104 [0] : vector<16x1xf32> to vector<1xf32>
    %broadcast_in_dim3A_106 = vector.shape_cast %reduce_sum3A_105 : vector<1xf32> to vector<1x1xf32>
    %div3A_107 = vector.broadcast %sub3A_103 : f32 to vector<1x1xf32>
    %div3A_108 = arith.divf %broadcast_in_dim3A_106, %div3A_107 : vector<1x1xf32>
    %gt3A_109 = arith.constant 0.000000e+00 : f32
    %gt3A_110 = arith.cmpf ogt, %sub3A_103, %gt3A_109 : f32
    %jit3A_111 = arith.constant 0x7FC00000 : f32
    %broadcast_in_dim3A_112 = vector.broadcast %jit3A_111 : f32 to vector<1x1xf32>
    %select_n3A_113 = arith.select %gt3A_110, %div3A_108, %broadcast_in_dim3A_112 : vector<1x1xf32>
    %sub3A_114 = vector.broadcast %div3A_90 : vector<1x1xf32> to vector<16x1xf32>
    %sub3A_115 = arith.subf %get3A_78, %sub3A_114 : vector<16x1xf32>
    %add3A_116 = arith.constant 9.99999974E-6 : f32
    %add3A_117 = vector.broadcast %add3A_116 : f32 to vector<1x1xf32>
    %add3A_118 = arith.addf %select_n3A_113, %add3A_117 : vector<1x1xf32>
    %sqrt3A_119 = math.sqrt %add3A_118 : vector<1x1xf32>
    %div3A_120 = vector.broadcast %sqrt3A_119 : vector<1x1xf32> to vector<16x1xf32>
    %div3A_121 = arith.divf %sub3A_115, %div3A_120 : vector<16x1xf32>
    %mul3A_122 = vector.broadcast %get3A_81 : vector<1x1xf32> to vector<16x1xf32>
    %mul3A_123 = arith.mulf %div3A_121, %mul3A_122 : vector<16x1xf32>
    %add3A_124 = vector.broadcast %get3A_84 : vector<1x1xf32> to vector<16x1xf32>
    %add3A_125 = arith.addf %mul3A_123, %add3A_124 : vector<16x1xf32>
    %swap3A_126 = arith.constant 0 : index
    %swap3A_127 = arith.constant 0 : index
    %swap3A_128 = vector.load %arg16[%swap3A_126, %swap3A_127] : memref<16x1xf32, #tpu.memory_space<vmem>>, vector<16x1xf32>
    tpu.vector_store %arg16[%swap3A_126, %swap3A_127], %add3A_125 {strides = array<i32>} : memref<16x1xf32, #tpu.memory_space<vmem>>, vector<16x1xf32>,
    %get3A_129 = arith.constant 0 : index
    %get3A_130 = arith.constant 0 : index
    %get3A_131 = vector.load %arg2[%get3A_129, %get3A_130] : memref<16x1xf32, #tpu.memory_space<vmem>>, vector<16x1xf32>
    %get3A_132 = arith.constant 0 : index
    %get3A_133 = arith.constant 0 : index
    %get3A_134 = vector.load %arg13[%get3A_132, %get3A_133] : memref<1x1xf32, #tpu.memory_space<vmem>>, vector<1x1xf32>
    %get3A_135 = arith.constant 0 : index
    %get3A_136 = arith.constant 0 : index
    %get3A_137 = vector.load %arg14[%get3A_135, %get3A_136] : memref<1x1xf32, #tpu.memory_space<vmem>>, vector<1x1xf32>
    %reduce_sum3A_138 = arith.constant dense<0.000000e+00> : vector<1xf32>
    %reduce_sum3A_139 = vector.multi_reduction <add>, %get3A_131, %reduce_sum3A_138 [0] : vector<16x1xf32> to vector<1xf32>
    %broadcast_in_dim3A_140 = vector.shape_cast %reduce_sum3A_139 : vector<1xf32> to vector<1x1xf32>
    %div3A_141 = arith.constant 1.600000e+01 : f32
    %div3A_142 = vector.broadcast %div3A_141 : f32 to vector<1x1xf32>
    %div3A_143 = arith.divf %broadcast_in_dim3A_140, %div3A_142 : vector<1x1xf32>
    %jit3A_144 = arith.constant 0 : i32
    %reduce_sum3A_145 = arith.constant dense<0.000000e+00> : vector<1xf32>
    %reduce_sum3A_146 = vector.multi_reduction <add>, %get3A_131, %reduce_sum3A_145 [0] : vector<16x1xf32> to vector<1xf32>
    %broadcast_in_dim3A_147 = vector.shape_cast %reduce_sum3A_146 : vector<1xf32> to vector<1x1xf32>
    %div3A_148 = arith.constant 1.600000e+01 : f32
    %div3A_149 = vector.broadcast %div3A_148 : f32 to vector<1x1xf32>
    %div3A_150 = arith.divf %broadcast_in_dim3A_147, %div3A_149 : vector<1x1xf32>
    %sub3A_151 = vector.broadcast %div3A_150 : vector<1x1xf32> to vector<16x1xf32>
    %sub3A_152 = arith.subf %get3A_131, %sub3A_151 : vector<16x1xf32>
    %square3A_153 = arith.mulf %sub3A_152, %sub3A_152 : vector<16x1xf32>
    %convert_element_type3A_154 = arith.sitofp %jit3A_144 : i32 to f32
    %sub3A_155 = arith.constant 1.600000e+01 : f32
    %sub3A_156 = arith.subf %sub3A_155, %convert_element_type3A_154 : f32
    %reduce_sum3A_157 = arith.constant dense<0.000000e+00> : vector<1xf32>
    %reduce_sum3A_158 = vector.multi_reduction <add>, %square3A_153, %reduce_sum3A_157 [0] : vector<16x1xf32> to vector<1xf32>
    %broadcast_in_dim3A_159 = vector.shape_cast %reduce_sum3A_158 : vector<1xf32> to vector<1x1xf32>
    %div3A_160 = vector.broadcast %sub3A_156 : f32 to vector<1x1xf32>
    %div3A_161 = arith.divf %broadcast_in_dim3A_159, %div3A_160 : vector<1x1xf32>
    %gt3A_162 = arith.constant 0.000000e+00 : f32
    %gt3A_163 = arith.cmpf ogt, %sub3A_156, %gt3A_162 : f32
    %jit3A_164 = arith.constant 0x7FC00000 : f32
    %broadcast_in_dim3A_165 = vector.broadcast %jit3A_164 : f32 to vector<1x1xf32>
    %select_n3A_166 = arith.select %gt3A_163, %div3A_161, %broadcast_in_dim3A_165 : vector<1x1xf32>
    %sub3A_167 = vector.broadcast %div3A_143 : vector<1x1xf32> to vector<16x1xf32>
    %sub3A_168 = arith.subf %get3A_131, %sub3A_167 : vector<16x1xf32>
    %add3A_169 = arith.constant 9.99999974E-6 : f32
    %add3A_170 = vector.broadcast %add3A_169 : f32 to vector<1x1xf32>
    %add3A_171 = arith.addf %select_n3A_166, %add3A_170 : vector<1x1xf32>
    %sqrt3A_172 = math.sqrt %add3A_171 : vector<1x1xf32>
    %div3A_173 = vector.broadcast %sqrt3A_172 : vector<1x1xf32> to vector<16x1xf32>
    %div3A_174 = arith.divf %sub3A_168, %div3A_173 : vector<16x1xf32>
    %mul3A_175 = vector.broadcast %get3A_134 : vector<1x1xf32> to vector<16x1xf32>
    %mul3A_176 = arith.mulf %div3A_174, %mul3A_175 : vector<16x1xf32>
    %add3A_177 = vector.broadcast %get3A_137 : vector<1x1xf32> to vector<16x1xf32>
    %add3A_178 = arith.addf %mul3A_176, %add3A_177 : vector<16x1xf32>
    %swap3A_179 = arith.constant 0 : index
    %swap3A_180 = arith.constant 0 : index
    %swap3A_181 = vector.load %arg17[%swap3A_179, %swap3A_180] : memref<16x1xf32, #tpu.memory_space<vmem>>, vector<16x1xf32>
    tpu.vector_store %arg17[%swap3A_179, %swap3A_180], %add3A_178 {strides = array<i32>} : memref<16x1xf32, #tpu.memory_space<vmem>>, vector<16x1xf32>,
    return
  }
}

module attributes {stable_mosaic.version = 14 : i64} {
  func.func @_prep_gex_body(%arg0: memref<16x1024xf32, #tpu.memory_space<vmem>>, %arg1: memref<1024x1024xf32, #tpu.memory_space<vmem>>, %arg2: memref<1x1024xf32, #tpu.memory_space<vmem>>, %arg3: memref<1x1024xf32, #tpu.memory_space<vmem>>, %arg4: memref<16x1024xf32, #tpu.memory_space<vmem>>, %arg5: memref<1024x1024xf32, #tpu.memory_space<vmem>>) attributes {dimension_semantics = [], scalar_prefetch = 0 : i64, scratch_operands = 0 : i64, tpu.core_type = #tpu.core_type<tc>} {
    %get3A = arith.constant 0 : index
    %get3A_0 = arith.constant 0 : index
    %get3A_1 = vector.load %arg1[%get3A, %get3A_0] : memref<1024x1024xf32, #tpu.memory_space<vmem>>, vector<1024x1024xf32>
    %gt3A = arith.constant 0.000000e+00 : f32
    %gt3A_2 = vector.broadcast %gt3A : f32 to vector<1024x1024xf32>
    %gt3A_3 = arith.cmpf ogt, %get3A_1, %gt3A_2 : vector<1024x1024xf32>
    %log3A = math.log %get3A_1 : vector<1024x1024xf32>
    %jit3A = arith.constant -1.000000e+30 : f32
    %broadcast_in_dim3A = vector.broadcast %jit3A : f32 to vector<1024x1024xf32>
    %select_n3A = arith.select %gt3A_3, %log3A, %broadcast_in_dim3A : vector<1024x1024xi1>, vector<1024x1024xf32>
    %swap3A = arith.constant 0 : index
    %swap3A_4 = arith.constant 0 : index
    %swap3A_5 = vector.load %arg5[%swap3A, %swap3A_4] : memref<1024x1024xf32, #tpu.memory_space<vmem>>, vector<1024x1024xf32>
    tpu.vector_store %arg5[%swap3A, %swap3A_4], %select_n3A {strides = array<i32>} : memref<1024x1024xf32, #tpu.memory_space<vmem>>, vector<1024x1024xf32>,
    %get3A_6 = arith.constant 0 : index
    %get3A_7 = arith.constant 0 : index
    %get3A_8 = vector.load %arg0[%get3A_6, %get3A_7] : memref<16x1024xf32, #tpu.memory_space<vmem>>, vector<16x1024xf32>
    %get3A_9 = arith.constant 0 : index
    %get3A_10 = arith.constant 0 : index
    %get3A_11 = vector.load %arg2[%get3A_9, %get3A_10] : memref<1x1024xf32, #tpu.memory_space<vmem>>, vector<1x1024xf32>
    %get3A_12 = arith.constant 0 : index
    %get3A_13 = arith.constant 0 : index
    %get3A_14 = vector.load %arg3[%get3A_12, %get3A_13] : memref<1x1024xf32, #tpu.memory_space<vmem>>, vector<1x1024xf32>
    %reduce_sum3A = arith.constant dense<0.000000e+00> : vector<1024xf32>
    %reduce_sum3A_15 = vector.multi_reduction <add>, %get3A_8, %reduce_sum3A [0] : vector<16x1024xf32> to vector<1024xf32>
    %broadcast_in_dim3A_16 = vector.shape_cast %reduce_sum3A_15 : vector<1024xf32> to vector<1x1024xf32>
    %div3A = arith.constant 1.600000e+01 : f32
    %div3A_17 = vector.broadcast %div3A : f32 to vector<1x1024xf32>
    %div3A_18 = arith.divf %broadcast_in_dim3A_16, %div3A_17 : vector<1x1024xf32>
    %jit3A_19 = arith.constant 0 : i32
    %reduce_sum3A_20 = arith.constant dense<0.000000e+00> : vector<1024xf32>
    %reduce_sum3A_21 = vector.multi_reduction <add>, %get3A_8, %reduce_sum3A_20 [0] : vector<16x1024xf32> to vector<1024xf32>
    %broadcast_in_dim3A_22 = vector.shape_cast %reduce_sum3A_21 : vector<1024xf32> to vector<1x1024xf32>
    %div3A_23 = arith.constant 1.600000e+01 : f32
    %div3A_24 = vector.broadcast %div3A_23 : f32 to vector<1x1024xf32>
    %div3A_25 = arith.divf %broadcast_in_dim3A_22, %div3A_24 : vector<1x1024xf32>
    %sub3A = vector.broadcast %div3A_25 : vector<1x1024xf32> to vector<16x1024xf32>
    %sub3A_26 = arith.subf %get3A_8, %sub3A : vector<16x1024xf32>
    %square3A = arith.mulf %sub3A_26, %sub3A_26 : vector<16x1024xf32>
    %convert_element_type3A = arith.sitofp %jit3A_19 : i32 to f32
    %sub3A_27 = arith.constant 1.600000e+01 : f32
    %sub3A_28 = arith.subf %sub3A_27, %convert_element_type3A : f32
    %reduce_sum3A_29 = arith.constant dense<0.000000e+00> : vector<1024xf32>
    %reduce_sum3A_30 = vector.multi_reduction <add>, %square3A, %reduce_sum3A_29 [0] : vector<16x1024xf32> to vector<1024xf32>
    %broadcast_in_dim3A_31 = vector.shape_cast %reduce_sum3A_30 : vector<1024xf32> to vector<1x1024xf32>
    %div3A_32 = vector.broadcast %sub3A_28 : f32 to vector<1x1024xf32>
    %div3A_33 = arith.divf %broadcast_in_dim3A_31, %div3A_32 : vector<1x1024xf32>
    %gt3A_34 = arith.constant 0.000000e+00 : f32
    %gt3A_35 = arith.cmpf ogt, %sub3A_28, %gt3A_34 : f32
    %jit3A_36 = arith.constant 0x7FC00000 : f32
    %broadcast_in_dim3A_37 = vector.broadcast %jit3A_36 : f32 to vector<1x1024xf32>
    %select_n3A_38 = arith.select %gt3A_35, %div3A_33, %broadcast_in_dim3A_37 : vector<1x1024xf32>
    %sub3A_39 = vector.broadcast %div3A_18 : vector<1x1024xf32> to vector<16x1024xf32>
    %sub3A_40 = arith.subf %get3A_8, %sub3A_39 : vector<16x1024xf32>
    %add3A = arith.constant 9.99999974E-6 : f32
    %add3A_41 = vector.broadcast %add3A : f32 to vector<1x1024xf32>
    %add3A_42 = arith.addf %select_n3A_38, %add3A_41 : vector<1x1024xf32>
    %sqrt3A = math.sqrt %add3A_42 : vector<1x1024xf32>
    %div3A_43 = vector.broadcast %sqrt3A : vector<1x1024xf32> to vector<16x1024xf32>
    %div3A_44 = arith.divf %sub3A_40, %div3A_43 : vector<16x1024xf32>
    %mul3A = vector.broadcast %get3A_11 : vector<1x1024xf32> to vector<16x1024xf32>
    %mul3A_45 = arith.mulf %div3A_44, %mul3A : vector<16x1024xf32>
    %add3A_46 = vector.broadcast %get3A_14 : vector<1x1024xf32> to vector<16x1024xf32>
    %add3A_47 = arith.addf %mul3A_45, %add3A_46 : vector<16x1024xf32>
    %swap3A_48 = arith.constant 0 : index
    %swap3A_49 = arith.constant 0 : index
    %swap3A_50 = vector.load %arg4[%swap3A_48, %swap3A_49] : memref<16x1024xf32, #tpu.memory_space<vmem>>, vector<16x1024xf32>
    tpu.vector_store %arg4[%swap3A_48, %swap3A_49], %add3A_47 {strides = array<i32>} : memref<16x1024xf32, #tpu.memory_space<vmem>>, vector<16x1024xf32>,
    return
  }
}

module attributes {stable_mosaic.version = 14 : i64} {
  func.func @_fused_body(%arg0: i32, %arg1: memref<1024x16xf32, #tpu.memory_space<vmem>>, %arg2: memref<1024x256xf32, #tpu.memory_space<vmem>>, %arg3: memref<1024x1024xf32, #tpu.memory_space<vmem>>, %arg4: memref<256x256xf32, #tpu.memory_space<vmem>>, %arg5: memref<1x256xf32, #tpu.memory_space<vmem>>, %arg6: memref<1x256xf32, #tpu.memory_space<vmem>>, %arg7: memref<1x256xf32, #tpu.memory_space<vmem>>, %arg8: memref<256x256xf32, #tpu.memory_space<vmem>>, %arg9: memref<1x256xf32, #tpu.memory_space<vmem>>, %arg10: memref<1x256xf32, #tpu.memory_space<vmem>>, %arg11: memref<1x256xf32, #tpu.memory_space<vmem>>, %arg12: memref<1024x652xf32, #tpu.memory_space<vmem>>, %arg13: memref<1x652xf32, #tpu.memory_space<vmem>>, %arg14: memref<652x326xf32, #tpu.memory_space<vmem>>, %arg15: memref<1x326xf32, #tpu.memory_space<vmem>>, %arg16: memref<326x1xf32, #tpu.memory_space<vmem>>, %arg17: memref<1x1xf32, #tpu.memory_space<vmem>>, %arg18: memref<1x1x128xf32, #tpu.memory_space<vmem>>, %arg19: memref<1x1x1xf32, #tpu.memory_space<vmem>>, %arg20: memref<1x1x1xf32, #tpu.memory_space<vmem>>, %arg21: memref<128x428xf32, #tpu.memory_space<vmem>>, %arg22: memref<512x428xf32, #tpu.memory_space<vmem>>, %arg23: memref<2x428xf32, #tpu.memory_space<vmem>>, %arg24: memref<1x428xf32, #tpu.memory_space<vmem>>, %arg25: memref<428x214xf32, #tpu.memory_space<vmem>>, %arg26: memref<1x214xf32, #tpu.memory_space<vmem>>, %arg27: memref<214x2xf32, #tpu.memory_space<vmem>>, %arg28: memref<1x2xf32, #tpu.memory_space<vmem>>, %arg29: memref<1x1x2xf32, #tpu.memory_space<vmem>>) attributes {dimension_semantics = [#tpu.dimension_semantics<arbitrary>], iteration_bounds = array<i64: 16>, scalar_prefetch = 0 : i64, scratch_operands = 0 : i64, tpu.core_type = #tpu.core_type<tc>, window_params = [{pipeline_mode = #tpu.pipeline_mode<synchronous>, transform_indices = @transform_0, window_bounds = array<i64: 1024, 16>}, {pipeline_mode = #tpu.pipeline_mode<synchronous>, transform_indices = @transform_1, window_bounds = array<i64: 1024, 256>}, {pipeline_mode = #tpu.pipeline_mode<synchronous>, transform_indices = @transform_2, window_bounds = array<i64: 1024, 1024>}, {pipeline_mode = #tpu.pipeline_mode<synchronous>, transform_indices = @transform_3, window_bounds = array<i64: 256, 256>}, {pipeline_mode = #tpu.pipeline_mode<synchronous>, transform_indices = @transform_4, window_bounds = array<i64: 1, 256>}, {pipeline_mode = #tpu.pipeline_mode<synchronous>, transform_indices = @transform_5, window_bounds = array<i64: 1, 256>}, {pipeline_mode = #tpu.pipeline_mode<synchronous>, transform_indices = @transform_6, window_bounds = array<i64: 1, 256>}, {pipeline_mode = #tpu.pipeline_mode<synchronous>, transform_indices = @transform_7, window_bounds = array<i64: 256, 256>}, {pipeline_mode = #tpu.pipeline_mode<synchronous>, transform_indices = @transform_8, window_bounds = array<i64: 1, 256>}, {pipeline_mode = #tpu.pipeline_mode<synchronous>, transform_indices = @transform_9, window_bounds = array<i64: 1, 256>}, {pipeline_mode = #tpu.pipeline_mode<synchronous>, transform_indices = @transform_10, window_bounds = array<i64: 1, 256>}, {pipeline_mode = #tpu.pipeline_mode<synchronous>, transform_indices = @transform_11, window_bounds = array<i64: 1024, 652>}, {pipeline_mode = #tpu.pipeline_mode<synchronous>, transform_indices = @transform_12, window_bounds = array<i64: 1, 652>}, {pipeline_mode = #tpu.pipeline_mode<synchronous>, transform_indices = @transform_13, window_bounds = array<i64: 652, 326>}, {pipeline_mode = #tpu.pipeline_mode<synchronous>, transform_indices = @transform_14, window_bounds = array<i64: 1, 326>}, {pipeline_mode = #tpu.pipeline_mode<synchronous>, transform_indices = @transform_15, window_bounds = array<i64: 326, 1>}, {pipeline_mode = #tpu.pipeline_mode<synchronous>, transform_indices = @transform_16, window_bounds = array<i64: 1, 1>}, {transform_indices = @transform_17, window_bounds = array<i64: 1, 1, 128>}, {transform_indices = @transform_18, window_bounds = array<i64: 1, 1, 1>}, {transform_indices = @transform_19, window_bounds = array<i64: 1, 1, 1>}, {pipeline_mode = #tpu.pipeline_mode<synchronous>, transform_indices = @transform_20, window_bounds = array<i64: 128, 428>}, {pipeline_mode = #tpu.pipeline_mode<synchronous>, transform_indices = @transform_21, window_bounds = array<i64: 512, 428>}, {pipeline_mode = #tpu.pipeline_mode<synchronous>, transform_indices = @transform_22, window_bounds = array<i64: 2, 428>}, {pipeline_mode = #tpu.pipeline_mode<synchronous>, transform_indices = @transform_23, window_bounds = array<i64: 1, 428>}, {pipeline_mode = #tpu.pipeline_mode<synchronous>, transform_indices = @transform_24, window_bounds = array<i64: 428, 214>}, {pipeline_mode = #tpu.pipeline_mode<synchronous>, transform_indices = @transform_25, window_bounds = array<i64: 1, 214>}, {pipeline_mode = #tpu.pipeline_mode<synchronous>, transform_indices = @transform_26, window_bounds = array<i64: 214, 2>}, {pipeline_mode = #tpu.pipeline_mode<synchronous>, transform_indices = @transform_27, window_bounds = array<i64: 1, 2>}, {transform_indices = @transform_28, window_bounds = array<i64: 1, 1, 2>}]} {
    %get3A = arith.constant 0 : index
    %get3A_0 = arith.constant 0 : index
    %get3A_1 = vector.load %arg3[%get3A, %get3A_0] : memref<1024x1024xf32, #tpu.memory_space<vmem>>, vector<1024x1024xf32>
    %iota3A = tpu.iota {dimensions = array<i32: 0>} : vector<16x1xi32>
    %eq3A = vector.broadcast %arg0 : i32 to vector<16x1xi32>
    %eq3A_2 = arith.cmpi eq, %iota3A, %eq3A : vector<16x1xi32>
    %convert_element_type3A = arith.extui %eq3A_2 : vector<16x1xi1> to vector<16x1xi32>
    %convert_element_type3A_3 = arith.sitofp %convert_element_type3A : vector<16x1xi32> to vector<16x1xf32>
    %get3A_4 = arith.constant 0 : index
    %get3A_5 = arith.constant 0 : index
    %get3A_6 = vector.load %arg1[%get3A_4, %get3A_5] : memref<1024x16xf32, #tpu.memory_space<vmem>>, vector<1024x16xf32>
    %dot_general3A = arith.constant dense<0.000000e+00> : vector<1024x1xf32>
    %dot_general3A_7 = tpu.matmul %get3A_6, %convert_element_type3A_3, %dot_general3A {dimension_numbers = #tpu.dot_dimension_numbers<[1], [0], [0], [1], [0, 0, 1, 1], [], []>, transpose_lhs_hint = false} : vector<1024x16xf32>, vector<16x1xf32>, vector<1024x1xf32> -> vector<1024x1xf32>
    %get3A_8 = arith.constant 0 : index
    %get3A_9 = arith.constant 0 : index
    %get3A_10 = vector.load %arg2[%get3A_8, %get3A_9] : memref<1024x256xf32, #tpu.memory_space<vmem>>, vector<1024x256xf32>
    %mul3A = vector.broadcast %dot_general3A_7 : vector<1024x1xf32> to vector<1024x256xf32>
    %mul3A_11 = arith.mulf %mul3A, %get3A_10 : vector<1024x256xf32>
    %broadcast_in_dim3A = arith.constant 1.000000e+00 : f32
    %broadcast_in_dim3A_12 = vector.broadcast %broadcast_in_dim3A : f32 to vector<1024x1xf32>
    %get3A_13 = arith.constant 0 : index
    %get3A_14 = arith.constant 0 : index
    %get3A_15 = vector.load %arg4[%get3A_13, %get3A_14] : memref<256x256xf32, #tpu.memory_space<vmem>>, vector<256x256xf32>
    %get3A_16 = arith.constant 0 : index
    %get3A_17 = arith.constant 0 : index
    %get3A_18 = vector.load %arg5[%get3A_16, %get3A_17] : memref<1x256xf32, #tpu.memory_space<vmem>>, vector<1x256xf32>
    %get3A_19 = arith.constant 0 : index
    %get3A_20 = arith.constant 0 : index
    %get3A_21 = vector.load %arg6[%get3A_19, %get3A_20] : memref<1x256xf32, #tpu.memory_space<vmem>>, vector<1x256xf32>
    %get3A_22 = arith.constant 0 : index
    %get3A_23 = arith.constant 0 : index
    %get3A_24 = vector.load %arg7[%get3A_22, %get3A_23] : memref<1x256xf32, #tpu.memory_space<vmem>>, vector<1x256xf32>
    %dot_general3A_25 = arith.constant dense<0.000000e+00> : vector<1024x256xf32>
    %dot_general3A_26 = tpu.matmul %mul3A_11, %get3A_15, %dot_general3A_25 {dimension_numbers = #tpu.dot_dimension_numbers<[1], [0], [0], [1], [0, 0, 1, 1], [], []>, transpose_lhs_hint = false} : vector<1024x256xf32>, vector<256x256xf32>, vector<1024x256xf32> -> vector<1024x256xf32>
    %slice3A = vector.extract_strided_slice %dot_general3A_26 {offsets = [0, 0], sizes = [1024, 64], strides = [1, 1]} : vector<1024x256xf32> to vector<1024x64xf32>
    %slice3A_27 = vector.extract_strided_slice %get3A_21 {offsets = [0, 0], sizes = [1, 64], strides = [1, 1]} : vector<1x256xf32> to vector<1x64xf32>
    %mul3A_28 = vector.broadcast %slice3A_27 : vector<1x64xf32> to vector<1024x64xf32>
    %mul3A_29 = arith.mulf %slice3A, %mul3A_28 : vector<1024x64xf32>
    %reduce_sum3A = arith.constant dense<0.000000e+00> : vector<1024xf32>
    %reduce_sum3A_30 = vector.multi_reduction <add>, %mul3A_29, %reduce_sum3A [1] : vector<1024x64xf32> to vector<1024xf32>
    %broadcast_in_dim3A_31 = vector.shape_cast %reduce_sum3A_30 : vector<1024xf32> to vector<1024x1xf32>
    %slice3A_32 = vector.extract_strided_slice %get3A_18 {offsets = [0, 0], sizes = [1, 64], strides = [1, 1]} : vector<1x256xf32> to vector<1x64xf32>
    %dot_general3A_33 = arith.constant dense<0.000000e+00> : vector<1x1024xf32>
    %dot_general3A_34 = tpu.matmul %slice3A_32, %slice3A, %dot_general3A_33 {dimension_numbers = #tpu.dot_dimension_numbers<[1], [1], [0], [0], [0, 0, 1, 0], [], []>, transpose_lhs_hint = false} : vector<1x64xf32>, vector<1024x64xf32>, vector<1x1024xf32> -> vector<1x1024xf32>
    %add3A = vector.broadcast %dot_general3A_34 : vector<1x1024xf32> to vector<1024x1024xf32>
    %add3A_35 = vector.broadcast %broadcast_in_dim3A_31 : vector<1024x1xf32> to vector<1024x1024xf32>
    %add3A_36 = arith.addf %add3A, %add3A_35 : vector<1024x1024xf32>
    %mul3A_37 = arith.constant 2.000000e-01 : f32
    %mul3A_38 = vector.broadcast %mul3A_37 : f32 to vector<1024x1024xf32>
    %mul3A_39 = arith.mulf %mul3A_38, %add3A_36 : vector<1024x1024xf32>
    %max3A = arith.maximumf %add3A_36, %mul3A_39 : vector<1024x1024xf32>
    %add3A_40 = arith.addf %max3A, %get3A_1 : vector<1024x1024xf32>
    %reduce_max3A = arith.constant dense<0xFF800000> : vector<1024xf32>
    %reduce_max3A_41 = vector.multi_reduction <maximumf>, %add3A_40, %reduce_max3A [1] : vector<1024x1024xf32> to vector<1024xf32>
    %broadcast_in_dim3A_42 = vector.shape_cast %reduce_max3A_41 : vector<1024xf32> to vector<1024x1xf32>
    %sub3A = vector.broadcast %broadcast_in_dim3A_42 : vector<1024x1xf32> to vector<1024x1024xf32>
    %sub3A_43 = arith.subf %add3A_40, %sub3A : vector<1024x1024xf32>
    %exp3A = math.exp %sub3A_43 : vector<1024x1024xf32>
    %concatenate3A = tpu.concatenate %slice3A, %broadcast_in_dim3A_12 in 1 : vector<1024x64xf32>, vector<1024x1xf32> -> vector<1024x65xf32>
    %dot_general3A_44 = arith.constant dense<0.000000e+00> : vector<1024x65xf32>
    %dot_general3A_45 = tpu.matmul %exp3A, %concatenate3A, %dot_general3A_44 {dimension_numbers = #tpu.dot_dimension_numbers<[1], [0], [0], [1], [0, 0, 1, 1], [], []>, transpose_lhs_hint = false} : vector<1024x1024xf32>, vector<1024x65xf32>, vector<1024x65xf32> -> vector<1024x65xf32>
    %slice3A_46 = vector.extract_strided_slice %dot_general3A_45 {offsets = [0, 0], sizes = [1024, 64], strides = [1, 1]} : vector<1024x65xf32> to vector<1024x64xf32>
    %slice3A_47 = vector.extract_strided_slice %dot_general3A_45 {offsets = [0, 64], sizes = [1024, 1], strides = [1, 1]} : vector<1024x65xf32> to vector<1024x1xf32>
    %add3A_48 = arith.constant 1.000000e-16 : f32
    %add3A_49 = vector.broadcast %add3A_48 : f32 to vector<1024x1xf32>
    %add3A_50 = arith.addf %slice3A_47, %add3A_49 : vector<1024x1xf32>
    %div3A = vector.broadcast %add3A_50 : vector<1024x1xf32> to vector<1024x64xf32>
    %div3A_51 = arith.divf %slice3A_46, %div3A : vector<1024x64xf32>
    %slice3A_52 = vector.extract_strided_slice %dot_general3A_26 {offsets = [0, 64], sizes = [1024, 64], strides = [1, 1]} : vector<1024x256xf32> to vector<1024x64xf32>
    %slice3A_53 = vector.extract_strided_slice %get3A_21 {offsets = [0, 64], sizes = [1, 64], strides = [1, 1]} : vector<1x256xf32> to vector<1x64xf32>
    %mul3A_54 = vector.broadcast %slice3A_53 : vector<1x64xf32> to vector<1024x64xf32>
    %mul3A_55 = arith.mulf %slice3A_52, %mul3A_54 : vector<1024x64xf32>
    %reduce_sum3A_56 = arith.constant dense<0.000000e+00> : vector<1024xf32>
    %reduce_sum3A_57 = vector.multi_reduction <add>, %mul3A_55, %reduce_sum3A_56 [1] : vector<1024x64xf32> to vector<1024xf32>
    %broadcast_in_dim3A_58 = vector.shape_cast %reduce_sum3A_57 : vector<1024xf32> to vector<1024x1xf32>
    %slice3A_59 = vector.extract_strided_slice %get3A_18 {offsets = [0, 64], sizes = [1, 64], strides = [1, 1]} : vector<1x256xf32> to vector<1x64xf32>
    %dot_general3A_60 = arith.constant dense<0.000000e+00> : vector<1x1024xf32>
    %dot_general3A_61 = tpu.matmul %slice3A_59, %slice3A_52, %dot_general3A_60 {dimension_numbers = #tpu.dot_dimension_numbers<[1], [1], [0], [0], [0, 0, 1, 0], [], []>, transpose_lhs_hint = false} : vector<1x64xf32>, vector<1024x64xf32>, vector<1x1024xf32> -> vector<1x1024xf32>
    %add3A_62 = vector.broadcast %dot_general3A_61 : vector<1x1024xf32> to vector<1024x1024xf32>
    %add3A_63 = vector.broadcast %broadcast_in_dim3A_58 : vector<1024x1xf32> to vector<1024x1024xf32>
    %add3A_64 = arith.addf %add3A_62, %add3A_63 : vector<1024x1024xf32>
    %mul3A_65 = arith.constant 2.000000e-01 : f32
    %mul3A_66 = vector.broadcast %mul3A_65 : f32 to vector<1024x1024xf32>
    %mul3A_67 = arith.mulf %mul3A_66, %add3A_64 : vector<1024x1024xf32>
    %max3A_68 = arith.maximumf %add3A_64, %mul3A_67 : vector<1024x1024xf32>
    %add3A_69 = arith.addf %max3A_68, %get3A_1 : vector<1024x1024xf32>
    %reduce_max3A_70 = arith.constant dense<0xFF800000> : vector<1024xf32>
    %reduce_max3A_71 = vector.multi_reduction <maximumf>, %add3A_69, %reduce_max3A_70 [1] : vector<1024x1024xf32> to vector<1024xf32>
    %broadcast_in_dim3A_72 = vector.shape_cast %reduce_max3A_71 : vector<1024xf32> to vector<1024x1xf32>
    %sub3A_73 = vector.broadcast %broadcast_in_dim3A_72 : vector<1024x1xf32> to vector<1024x1024xf32>
    %sub3A_74 = arith.subf %add3A_69, %sub3A_73 : vector<1024x1024xf32>
    %exp3A_75 = math.exp %sub3A_74 : vector<1024x1024xf32>
    %concatenate3A_76 = tpu.concatenate %slice3A_52, %broadcast_in_dim3A_12 in 1 : vector<1024x64xf32>, vector<1024x1xf32> -> vector<1024x65xf32>
    %dot_general3A_77 = arith.constant dense<0.000000e+00> : vector<1024x65xf32>
    %dot_general3A_78 = tpu.matmul %exp3A_75, %concatenate3A_76, %dot_general3A_77 {dimension_numbers = #tpu.dot_dimension_numbers<[1], [0], [0], [1], [0, 0, 1, 1], [], []>, transpose_lhs_hint = false} : vector<1024x1024xf32>, vector<1024x65xf32>, vector<1024x65xf32> -> vector<1024x65xf32>
    %slice3A_79 = vector.extract_strided_slice %dot_general3A_78 {offsets = [0, 0], sizes = [1024, 64], strides = [1, 1]} : vector<1024x65xf32> to vector<1024x64xf32>
    %slice3A_80 = vector.extract_strided_slice %dot_general3A_78 {offsets = [0, 64], sizes = [1024, 1], strides = [1, 1]} : vector<1024x65xf32> to vector<1024x1xf32>
    %add3A_81 = arith.constant 1.000000e-16 : f32
    %add3A_82 = vector.broadcast %add3A_81 : f32 to vector<1024x1xf32>
    %add3A_83 = arith.addf %slice3A_80, %add3A_82 : vector<1024x1xf32>
    %div3A_84 = vector.broadcast %add3A_83 : vector<1024x1xf32> to vector<1024x64xf32>
    %div3A_85 = arith.divf %slice3A_79, %div3A_84 : vector<1024x64xf32>
    %slice3A_86 = vector.extract_strided_slice %dot_general3A_26 {offsets = [0, 128], sizes = [1024, 64], strides = [1, 1]} : vector<1024x256xf32> to vector<1024x64xf32>
    %slice3A_87 = vector.extract_strided_slice %get3A_21 {offsets = [0, 128], sizes = [1, 64], strides = [1, 1]} : vector<1x256xf32> to vector<1x64xf32>
    %mul3A_88 = vector.broadcast %slice3A_87 : vector<1x64xf32> to vector<1024x64xf32>
    %mul3A_89 = arith.mulf %slice3A_86, %mul3A_88 : vector<1024x64xf32>
    %reduce_sum3A_90 = arith.constant dense<0.000000e+00> : vector<1024xf32>
    %reduce_sum3A_91 = vector.multi_reduction <add>, %mul3A_89, %reduce_sum3A_90 [1] : vector<1024x64xf32> to vector<1024xf32>
    %broadcast_in_dim3A_92 = vector.shape_cast %reduce_sum3A_91 : vector<1024xf32> to vector<1024x1xf32>
    %slice3A_93 = vector.extract_strided_slice %get3A_18 {offsets = [0, 128], sizes = [1, 64], strides = [1, 1]} : vector<1x256xf32> to vector<1x64xf32>
    %dot_general3A_94 = arith.constant dense<0.000000e+00> : vector<1x1024xf32>
    %dot_general3A_95 = tpu.matmul %slice3A_93, %slice3A_86, %dot_general3A_94 {dimension_numbers = #tpu.dot_dimension_numbers<[1], [1], [0], [0], [0, 0, 1, 0], [], []>, transpose_lhs_hint = false} : vector<1x64xf32>, vector<1024x64xf32>, vector<1x1024xf32> -> vector<1x1024xf32>
    %add3A_96 = vector.broadcast %dot_general3A_95 : vector<1x1024xf32> to vector<1024x1024xf32>
    %add3A_97 = vector.broadcast %broadcast_in_dim3A_92 : vector<1024x1xf32> to vector<1024x1024xf32>
    %add3A_98 = arith.addf %add3A_96, %add3A_97 : vector<1024x1024xf32>
    %mul3A_99 = arith.constant 2.000000e-01 : f32
    %mul3A_100 = vector.broadcast %mul3A_99 : f32 to vector<1024x1024xf32>
    %mul3A_101 = arith.mulf %mul3A_100, %add3A_98 : vector<1024x1024xf32>
    %max3A_102 = arith.maximumf %add3A_98, %mul3A_101 : vector<1024x1024xf32>
    %add3A_103 = arith.addf %max3A_102, %get3A_1 : vector<1024x1024xf32>
    %reduce_max3A_104 = arith.constant dense<0xFF800000> : vector<1024xf32>
    %reduce_max3A_105 = vector.multi_reduction <maximumf>, %add3A_103, %reduce_max3A_104 [1] : vector<1024x1024xf32> to vector<1024xf32>
    %broadcast_in_dim3A_106 = vector.shape_cast %reduce_max3A_105 : vector<1024xf32> to vector<1024x1xf32>
    %sub3A_107 = vector.broadcast %broadcast_in_dim3A_106 : vector<1024x1xf32> to vector<1024x1024xf32>
    %sub3A_108 = arith.subf %add3A_103, %sub3A_107 : vector<1024x1024xf32>
    %exp3A_109 = math.exp %sub3A_108 : vector<1024x1024xf32>
    %concatenate3A_110 = tpu.concatenate %slice3A_86, %broadcast_in_dim3A_12 in 1 : vector<1024x64xf32>, vector<1024x1xf32> -> vector<1024x65xf32>
    %dot_general3A_111 = arith.constant dense<0.000000e+00> : vector<1024x65xf32>
    %dot_general3A_112 = tpu.matmul %exp3A_109, %concatenate3A_110, %dot_general3A_111 {dimension_numbers = #tpu.dot_dimension_numbers<[1], [0], [0], [1], [0, 0, 1, 1], [], []>, transpose_lhs_hint = false} : vector<1024x1024xf32>, vector<1024x65xf32>, vector<1024x65xf32> -> vector<1024x65xf32>
    %slice3A_113 = vector.extract_strided_slice %dot_general3A_112 {offsets = [0, 0], sizes = [1024, 64], strides = [1, 1]} : vector<1024x65xf32> to vector<1024x64xf32>
    %slice3A_114 = vector.extract_strided_slice %dot_general3A_112 {offsets = [0, 64], sizes = [1024, 1], strides = [1, 1]} : vector<1024x65xf32> to vector<1024x1xf32>
    %add3A_115 = arith.constant 1.000000e-16 : f32
    %add3A_116 = vector.broadcast %add3A_115 : f32 to vector<1024x1xf32>
    %add3A_117 = arith.addf %slice3A_114, %add3A_116 : vector<1024x1xf32>
    %div3A_118 = vector.broadcast %add3A_117 : vector<1024x1xf32> to vector<1024x64xf32>
    %div3A_119 = arith.divf %slice3A_113, %div3A_118 : vector<1024x64xf32>
    %slice3A_120 = vector.extract_strided_slice %dot_general3A_26 {offsets = [0, 192], sizes = [1024, 64], strides = [1, 1]} : vector<1024x256xf32> to vector<1024x64xf32>
    %slice3A_121 = vector.extract_strided_slice %get3A_21 {offsets = [0, 192], sizes = [1, 64], strides = [1, 1]} : vector<1x256xf32> to vector<1x64xf32>
    %mul3A_122 = vector.broadcast %slice3A_121 : vector<1x64xf32> to vector<1024x64xf32>
    %mul3A_123 = arith.mulf %slice3A_120, %mul3A_122 : vector<1024x64xf32>
    %reduce_sum3A_124 = arith.constant dense<0.000000e+00> : vector<1024xf32>
    %reduce_sum3A_125 = vector.multi_reduction <add>, %mul3A_123, %reduce_sum3A_124 [1] : vector<1024x64xf32> to vector<1024xf32>
    %broadcast_in_dim3A_126 = vector.shape_cast %reduce_sum3A_125 : vector<1024xf32> to vector<1024x1xf32>
    %slice3A_127 = vector.extract_strided_slice %get3A_18 {offsets = [0, 192], sizes = [1, 64], strides = [1, 1]} : vector<1x256xf32> to vector<1x64xf32>
    %dot_general3A_128 = arith.constant dense<0.000000e+00> : vector<1x1024xf32>
    %dot_general3A_129 = tpu.matmul %slice3A_127, %slice3A_120, %dot_general3A_128 {dimension_numbers = #tpu.dot_dimension_numbers<[1], [1], [0], [0], [0, 0, 1, 0], [], []>, transpose_lhs_hint = false} : vector<1x64xf32>, vector<1024x64xf32>, vector<1x1024xf32> -> vector<1x1024xf32>
    %add3A_130 = vector.broadcast %dot_general3A_129 : vector<1x1024xf32> to vector<1024x1024xf32>
    %add3A_131 = vector.broadcast %broadcast_in_dim3A_126 : vector<1024x1xf32> to vector<1024x1024xf32>
    %add3A_132 = arith.addf %add3A_130, %add3A_131 : vector<1024x1024xf32>
    %mul3A_133 = arith.constant 2.000000e-01 : f32
    %mul3A_134 = vector.broadcast %mul3A_133 : f32 to vector<1024x1024xf32>
    %mul3A_135 = arith.mulf %mul3A_134, %add3A_132 : vector<1024x1024xf32>
    %max3A_136 = arith.maximumf %add3A_132, %mul3A_135 : vector<1024x1024xf32>
    %add3A_137 = arith.addf %max3A_136, %get3A_1 : vector<1024x1024xf32>
    %reduce_max3A_138 = arith.constant dense<0xFF800000> : vector<1024xf32>
    %reduce_max3A_139 = vector.multi_reduction <maximumf>, %add3A_137, %reduce_max3A_138 [1] : vector<1024x1024xf32> to vector<1024xf32>
    %broadcast_in_dim3A_140 = vector.shape_cast %reduce_max3A_139 : vector<1024xf32> to vector<1024x1xf32>
    %sub3A_141 = vector.broadcast %broadcast_in_dim3A_140 : vector<1024x1xf32> to vector<1024x1024xf32>
    %sub3A_142 = arith.subf %add3A_137, %sub3A_141 : vector<1024x1024xf32>
    %exp3A_143 = math.exp %sub3A_142 : vector<1024x1024xf32>
    %concatenate3A_144 = tpu.concatenate %slice3A_120, %broadcast_in_dim3A_12 in 1 : vector<1024x64xf32>, vector<1024x1xf32> -> vector<1024x65xf32>
    %dot_general3A_145 = arith.constant dense<0.000000e+00> : vector<1024x65xf32>
    %dot_general3A_146 = tpu.matmul %exp3A_143, %concatenate3A_144, %dot_general3A_145 {dimension_numbers = #tpu.dot_dimension_numbers<[1], [0], [0], [1], [0, 0, 1, 1], [], []>, transpose_lhs_hint = false} : vector<1024x1024xf32>, vector<1024x65xf32>, vector<1024x65xf32> -> vector<1024x65xf32>
    %slice3A_147 = vector.extract_strided_slice %dot_general3A_146 {offsets = [0, 0], sizes = [1024, 64], strides = [1, 1]} : vector<1024x65xf32> to vector<1024x64xf32>
    %slice3A_148 = vector.extract_strided_slice %dot_general3A_146 {offsets = [0, 64], sizes = [1024, 1], strides = [1, 1]} : vector<1024x65xf32> to vector<1024x1xf32>
    %add3A_149 = arith.constant 1.000000e-16 : f32
    %add3A_150 = vector.broadcast %add3A_149 : f32 to vector<1024x1xf32>
    %add3A_151 = arith.addf %slice3A_148, %add3A_150 : vector<1024x1xf32>
    %div3A_152 = vector.broadcast %add3A_151 : vector<1024x1xf32> to vector<1024x64xf32>
    %div3A_153 = arith.divf %slice3A_147, %div3A_152 : vector<1024x64xf32>
    %concatenate3A_154 = tpu.concatenate %div3A_51, %div3A_85, %div3A_119, %div3A_153 in 1 : vector<1024x64xf32>, vector<1024x64xf32>, vector<1024x64xf32>, vector<1024x64xf32> -> vector<1024x256xf32>
    %add3A_155 = vector.broadcast %get3A_24 : vector<1x256xf32> to vector<1024x256xf32>
    %add3A_156 = arith.addf %concatenate3A_154, %add3A_155 : vector<1024x256xf32>
    %max3A_157 = arith.constant 0.000000e+00 : f32
    %max3A_158 = vector.broadcast %max3A_157 : f32 to vector<1024x256xf32>
    %max3A_159 = arith.maximumf %add3A_156, %max3A_158 : vector<1024x256xf32>
    %get3A_160 = arith.constant 0 : index
    %get3A_161 = arith.constant 0 : index
    %get3A_162 = vector.load %arg8[%get3A_160, %get3A_161] : memref<256x256xf32, #tpu.memory_space<vmem>>, vector<256x256xf32>
    %get3A_163 = arith.constant 0 : index
    %get3A_164 = arith.constant 0 : index
    %get3A_165 = vector.load %arg9[%get3A_163, %get3A_164] : memref<1x256xf32, #tpu.memory_space<vmem>>, vector<1x256xf32>
    %get3A_166 = arith.constant 0 : index
    %get3A_167 = arith.constant 0 : index
    %get3A_168 = vector.load %arg10[%get3A_166, %get3A_167] : memref<1x256xf32, #tpu.memory_space<vmem>>, vector<1x256xf32>
    %get3A_169 = arith.constant 0 : index
    %get3A_170 = arith.constant 0 : index
    %get3A_171 = vector.load %arg11[%get3A_169, %get3A_170] : memref<1x256xf32, #tpu.memory_space<vmem>>, vector<1x256xf32>
    %dot_general3A_172 = arith.constant dense<0.000000e+00> : vector<1024x256xf32>
    %dot_general3A_173 = tpu.matmul %max3A_159, %get3A_162, %dot_general3A_172 {dimension_numbers = #tpu.dot_dimension_numbers<[1], [0], [0], [1], [0, 0, 1, 1], [], []>, transpose_lhs_hint = false} : vector<1024x256xf32>, vector<256x256xf32>, vector<1024x256xf32> -> vector<1024x256xf32>
    %slice3A_174 = vector.extract_strided_slice %dot_general3A_173 {offsets = [0, 0], sizes = [1024, 64], strides = [1, 1]} : vector<1024x256xf32> to vector<1024x64xf32>
    %slice3A_175 = vector.extract_strided_slice %get3A_168 {offsets = [0, 0], sizes = [1, 64], strides = [1, 1]} : vector<1x256xf32> to vector<1x64xf32>
    %mul3A_176 = vector.broadcast %slice3A_175 : vector<1x64xf32> to vector<1024x64xf32>
    %mul3A_177 = arith.mulf %slice3A_174, %mul3A_176 : vector<1024x64xf32>
    %reduce_sum3A_178 = arith.constant dense<0.000000e+00> : vector<1024xf32>
    %reduce_sum3A_179 = vector.multi_reduction <add>, %mul3A_177, %reduce_sum3A_178 [1] : vector<1024x64xf32> to vector<1024xf32>
    %broadcast_in_dim3A_180 = vector.shape_cast %reduce_sum3A_179 : vector<1024xf32> to vector<1024x1xf32>
    %slice3A_181 = vector.extract_strided_slice %get3A_165 {offsets = [0, 0], sizes = [1, 64], strides = [1, 1]} : vector<1x256xf32> to vector<1x64xf32>
    %dot_general3A_182 = arith.constant dense<0.000000e+00> : vector<1x1024xf32>
    %dot_general3A_183 = tpu.matmul %slice3A_181, %slice3A_174, %dot_general3A_182 {dimension_numbers = #tpu.dot_dimension_numbers<[1], [1], [0], [0], [0, 0, 1, 0], [], []>, transpose_lhs_hint = false} : vector<1x64xf32>, vector<1024x64xf32>, vector<1x1024xf32> -> vector<1x1024xf32>
    %add3A_184 = vector.broadcast %dot_general3A_183 : vector<1x1024xf32> to vector<1024x1024xf32>
    %add3A_185 = vector.broadcast %broadcast_in_dim3A_180 : vector<1024x1xf32> to vector<1024x1024xf32>
    %add3A_186 = arith.addf %add3A_184, %add3A_185 : vector<1024x1024xf32>
    %mul3A_187 = arith.constant 2.000000e-01 : f32
    %mul3A_188 = vector.broadcast %mul3A_187 : f32 to vector<1024x1024xf32>
    %mul3A_189 = arith.mulf %mul3A_188, %add3A_186 : vector<1024x1024xf32>
    %max3A_190 = arith.maximumf %add3A_186, %mul3A_189 : vector<1024x1024xf32>
    %add3A_191 = arith.addf %max3A_190, %get3A_1 : vector<1024x1024xf32>
    %reduce_max3A_192 = arith.constant dense<0xFF800000> : vector<1024xf32>
    %reduce_max3A_193 = vector.multi_reduction <maximumf>, %add3A_191, %reduce_max3A_192 [1] : vector<1024x1024xf32> to vector<1024xf32>
    %broadcast_in_dim3A_194 = vector.shape_cast %reduce_max3A_193 : vector<1024xf32> to vector<1024x1xf32>
    %sub3A_195 = vector.broadcast %broadcast_in_dim3A_194 : vector<1024x1xf32> to vector<1024x1024xf32>
    %sub3A_196 = arith.subf %add3A_191, %sub3A_195 : vector<1024x1024xf32>
    %exp3A_197 = math.exp %sub3A_196 : vector<1024x1024xf32>
    %concatenate3A_198 = tpu.concatenate %slice3A_174, %broadcast_in_dim3A_12 in 1 : vector<1024x64xf32>, vector<1024x1xf32> -> vector<1024x65xf32>
    %dot_general3A_199 = arith.constant dense<0.000000e+00> : vector<1024x65xf32>
    %dot_general3A_200 = tpu.matmul %exp3A_197, %concatenate3A_198, %dot_general3A_199 {dimension_numbers = #tpu.dot_dimension_numbers<[1], [0], [0], [1], [0, 0, 1, 1], [], []>, transpose_lhs_hint = false} : vector<1024x1024xf32>, vector<1024x65xf32>, vector<1024x65xf32> -> vector<1024x65xf32>
    %slice3A_201 = vector.extract_strided_slice %dot_general3A_200 {offsets = [0, 0], sizes = [1024, 64], strides = [1, 1]} : vector<1024x65xf32> to vector<1024x64xf32>
    %slice3A_202 = vector.extract_strided_slice %dot_general3A_200 {offsets = [0, 64], sizes = [1024, 1], strides = [1, 1]} : vector<1024x65xf32> to vector<1024x1xf32>
    %add3A_203 = arith.constant 1.000000e-16 : f32
    %add3A_204 = vector.broadcast %add3A_203 : f32 to vector<1024x1xf32>
    %add3A_205 = arith.addf %slice3A_202, %add3A_204 : vector<1024x1xf32>
    %div3A_206 = vector.broadcast %add3A_205 : vector<1024x1xf32> to vector<1024x64xf32>
    %div3A_207 = arith.divf %slice3A_201, %div3A_206 : vector<1024x64xf32>
    %slice3A_208 = vector.extract_strided_slice %dot_general3A_173 {offsets = [0, 64], sizes = [1024, 64], strides = [1, 1]} : vector<1024x256xf32> to vector<1024x64xf32>
    %slice3A_209 = vector.extract_strided_slice %get3A_168 {offsets = [0, 64], sizes = [1, 64], strides = [1, 1]} : vector<1x256xf32> to vector<1x64xf32>
    %mul3A_210 = vector.broadcast %slice3A_209 : vector<1x64xf32> to vector<1024x64xf32>
    %mul3A_211 = arith.mulf %slice3A_208, %mul3A_210 : vector<1024x64xf32>
    %reduce_sum3A_212 = arith.constant dense<0.000000e+00> : vector<1024xf32>
    %reduce_sum3A_213 = vector.multi_reduction <add>, %mul3A_211, %reduce_sum3A_212 [1] : vector<1024x64xf32> to vector<1024xf32>
    %broadcast_in_dim3A_214 = vector.shape_cast %reduce_sum3A_213 : vector<1024xf32> to vector<1024x1xf32>
    %slice3A_215 = vector.extract_strided_slice %get3A_165 {offsets = [0, 64], sizes = [1, 64], strides = [1, 1]} : vector<1x256xf32> to vector<1x64xf32>
    %dot_general3A_216 = arith.constant dense<0.000000e+00> : vector<1x1024xf32>
    %dot_general3A_217 = tpu.matmul %slice3A_215, %slice3A_208, %dot_general3A_216 {dimension_numbers = #tpu.dot_dimension_numbers<[1], [1], [0], [0], [0, 0, 1, 0], [], []>, transpose_lhs_hint = false} : vector<1x64xf32>, vector<1024x64xf32>, vector<1x1024xf32> -> vector<1x1024xf32>
    %add3A_218 = vector.broadcast %dot_general3A_217 : vector<1x1024xf32> to vector<1024x1024xf32>
    %add3A_219 = vector.broadcast %broadcast_in_dim3A_214 : vector<1024x1xf32> to vector<1024x1024xf32>
    %add3A_220 = arith.addf %add3A_218, %add3A_219 : vector<1024x1024xf32>
    %mul3A_221 = arith.constant 2.000000e-01 : f32
    %mul3A_222 = vector.broadcast %mul3A_221 : f32 to vector<1024x1024xf32>
    %mul3A_223 = arith.mulf %mul3A_222, %add3A_220 : vector<1024x1024xf32>
    %max3A_224 = arith.maximumf %add3A_220, %mul3A_223 : vector<1024x1024xf32>
    %add3A_225 = arith.addf %max3A_224, %get3A_1 : vector<1024x1024xf32>
    %reduce_max3A_226 = arith.constant dense<0xFF800000> : vector<1024xf32>
    %reduce_max3A_227 = vector.multi_reduction <maximumf>, %add3A_225, %reduce_max3A_226 [1] : vector<1024x1024xf32> to vector<1024xf32>
    %broadcast_in_dim3A_228 = vector.shape_cast %reduce_max3A_227 : vector<1024xf32> to vector<1024x1xf32>
    %sub3A_229 = vector.broadcast %broadcast_in_dim3A_228 : vector<1024x1xf32> to vector<1024x1024xf32>
    %sub3A_230 = arith.subf %add3A_225, %sub3A_229 : vector<1024x1024xf32>
    %exp3A_231 = math.exp %sub3A_230 : vector<1024x1024xf32>
    %concatenate3A_232 = tpu.concatenate %slice3A_208, %broadcast_in_dim3A_12 in 1 : vector<1024x64xf32>, vector<1024x1xf32> -> vector<1024x65xf32>
    %dot_general3A_233 = arith.constant dense<0.000000e+00> : vector<1024x65xf32>
    %dot_general3A_234 = tpu.matmul %exp3A_231, %concatenate3A_232, %dot_general3A_233 {dimension_numbers = #tpu.dot_dimension_numbers<[1], [0], [0], [1], [0, 0, 1, 1], [], []>, transpose_lhs_hint = false} : vector<1024x1024xf32>, vector<1024x65xf32>, vector<1024x65xf32> -> vector<1024x65xf32>
    %slice3A_235 = vector.extract_strided_slice %dot_general3A_234 {offsets = [0, 0], sizes = [1024, 64], strides = [1, 1]} : vector<1024x65xf32> to vector<1024x64xf32>
    %slice3A_236 = vector.extract_strided_slice %dot_general3A_234 {offsets = [0, 64], sizes = [1024, 1], strides = [1, 1]} : vector<1024x65xf32> to vector<1024x1xf32>
    %add3A_237 = arith.constant 1.000000e-16 : f32
    %add3A_238 = vector.broadcast %add3A_237 : f32 to vector<1024x1xf32>
    %add3A_239 = arith.addf %slice3A_236, %add3A_238 : vector<1024x1xf32>
    %div3A_240 = vector.broadcast %add3A_239 : vector<1024x1xf32> to vector<1024x64xf32>
    %div3A_241 = arith.divf %slice3A_235, %div3A_240 : vector<1024x64xf32>
    %slice3A_242 = vector.extract_strided_slice %dot_general3A_173 {offsets = [0, 128], sizes = [1024, 64], strides = [1, 1]} : vector<1024x256xf32> to vector<1024x64xf32>
    %slice3A_243 = vector.extract_strided_slice %get3A_168 {offsets = [0, 128], sizes = [1, 64], strides = [1, 1]} : vector<1x256xf32> to vector<1x64xf32>
    %mul3A_244 = vector.broadcast %slice3A_243 : vector<1x64xf32> to vector<1024x64xf32>
    %mul3A_245 = arith.mulf %slice3A_242, %mul3A_244 : vector<1024x64xf32>
    %reduce_sum3A_246 = arith.constant dense<0.000000e+00> : vector<1024xf32>
    %reduce_sum3A_247 = vector.multi_reduction <add>, %mul3A_245, %reduce_sum3A_246 [1] : vector<1024x64xf32> to vector<1024xf32>
    %broadcast_in_dim3A_248 = vector.shape_cast %reduce_sum3A_247 : vector<1024xf32> to vector<1024x1xf32>
    %slice3A_249 = vector.extract_strided_slice %get3A_165 {offsets = [0, 128], sizes = [1, 64], strides = [1, 1]} : vector<1x256xf32> to vector<1x64xf32>
    %dot_general3A_250 = arith.constant dense<0.000000e+00> : vector<1x1024xf32>
    %dot_general3A_251 = tpu.matmul %slice3A_249, %slice3A_242, %dot_general3A_250 {dimension_numbers = #tpu.dot_dimension_numbers<[1], [1], [0], [0], [0, 0, 1, 0], [], []>, transpose_lhs_hint = false} : vector<1x64xf32>, vector<1024x64xf32>, vector<1x1024xf32> -> vector<1x1024xf32>
    %add3A_252 = vector.broadcast %dot_general3A_251 : vector<1x1024xf32> to vector<1024x1024xf32>
    %add3A_253 = vector.broadcast %broadcast_in_dim3A_248 : vector<1024x1xf32> to vector<1024x1024xf32>
    %add3A_254 = arith.addf %add3A_252, %add3A_253 : vector<1024x1024xf32>
    %mul3A_255 = arith.constant 2.000000e-01 : f32
    %mul3A_256 = vector.broadcast %mul3A_255 : f32 to vector<1024x1024xf32>
    %mul3A_257 = arith.mulf %mul3A_256, %add3A_254 : vector<1024x1024xf32>
    %max3A_258 = arith.maximumf %add3A_254, %mul3A_257 : vector<1024x1024xf32>
    %add3A_259 = arith.addf %max3A_258, %get3A_1 : vector<1024x1024xf32>
    %reduce_max3A_260 = arith.constant dense<0xFF800000> : vector<1024xf32>
    %reduce_max3A_261 = vector.multi_reduction <maximumf>, %add3A_259, %reduce_max3A_260 [1] : vector<1024x1024xf32> to vector<1024xf32>
    %broadcast_in_dim3A_262 = vector.shape_cast %reduce_max3A_261 : vector<1024xf32> to vector<1024x1xf32>
    %sub3A_263 = vector.broadcast %broadcast_in_dim3A_262 : vector<1024x1xf32> to vector<1024x1024xf32>
    %sub3A_264 = arith.subf %add3A_259, %sub3A_263 : vector<1024x1024xf32>
    %exp3A_265 = math.exp %sub3A_264 : vector<1024x1024xf32>
    %concatenate3A_266 = tpu.concatenate %slice3A_242, %broadcast_in_dim3A_12 in 1 : vector<1024x64xf32>, vector<1024x1xf32> -> vector<1024x65xf32>
    %dot_general3A_267 = arith.constant dense<0.000000e+00> : vector<1024x65xf32>
    %dot_general3A_268 = tpu.matmul %exp3A_265, %concatenate3A_266, %dot_general3A_267 {dimension_numbers = #tpu.dot_dimension_numbers<[1], [0], [0], [1], [0, 0, 1, 1], [], []>, transpose_lhs_hint = false} : vector<1024x1024xf32>, vector<1024x65xf32>, vector<1024x65xf32> -> vector<1024x65xf32>
    %slice3A_269 = vector.extract_strided_slice %dot_general3A_268 {offsets = [0, 0], sizes = [1024, 64], strides = [1, 1]} : vector<1024x65xf32> to vector<1024x64xf32>
    %slice3A_270 = vector.extract_strided_slice %dot_general3A_268 {offsets = [0, 64], sizes = [1024, 1], strides = [1, 1]} : vector<1024x65xf32> to vector<1024x1xf32>
    %add3A_271 = arith.constant 1.000000e-16 : f32
    %add3A_272 = vector.broadcast %add3A_271 : f32 to vector<1024x1xf32>
    %add3A_273 = arith.addf %slice3A_270, %add3A_272 : vector<1024x1xf32>
    %div3A_274 = vector.broadcast %add3A_273 : vector<1024x1xf32> to vector<1024x64xf32>
    %div3A_275 = arith.divf %slice3A_269, %div3A_274 : vector<1024x64xf32>
    %slice3A_276 = vector.extract_strided_slice %dot_general3A_173 {offsets = [0, 192], sizes = [1024, 64], strides = [1, 1]} : vector<1024x256xf32> to vector<1024x64xf32>
    %slice3A_277 = vector.extract_strided_slice %get3A_168 {offsets = [0, 192], sizes = [1, 64], strides = [1, 1]} : vector<1x256xf32> to vector<1x64xf32>
    %mul3A_278 = vector.broadcast %slice3A_277 : vector<1x64xf32> to vector<1024x64xf32>
    %mul3A_279 = arith.mulf %slice3A_276, %mul3A_278 : vector<1024x64xf32>
    %reduce_sum3A_280 = arith.constant dense<0.000000e+00> : vector<1024xf32>
    %reduce_sum3A_281 = vector.multi_reduction <add>, %mul3A_279, %reduce_sum3A_280 [1] : vector<1024x64xf32> to vector<1024xf32>
    %broadcast_in_dim3A_282 = vector.shape_cast %reduce_sum3A_281 : vector<1024xf32> to vector<1024x1xf32>
    %slice3A_283 = vector.extract_strided_slice %get3A_165 {offsets = [0, 192], sizes = [1, 64], strides = [1, 1]} : vector<1x256xf32> to vector<1x64xf32>
    %dot_general3A_284 = arith.constant dense<0.000000e+00> : vector<1x1024xf32>
    %dot_general3A_285 = tpu.matmul %slice3A_283, %slice3A_276, %dot_general3A_284 {dimension_numbers = #tpu.dot_dimension_numbers<[1], [1], [0], [0], [0, 0, 1, 0], [], []>, transpose_lhs_hint = false} : vector<1x64xf32>, vector<1024x64xf32>, vector<1x1024xf32> -> vector<1x1024xf32>
    %add3A_286 = vector.broadcast %dot_general3A_285 : vector<1x1024xf32> to vector<1024x1024xf32>
    %add3A_287 = vector.broadcast %broadcast_in_dim3A_282 : vector<1024x1xf32> to vector<1024x1024xf32>
    %add3A_288 = arith.addf %add3A_286, %add3A_287 : vector<1024x1024xf32>
    %mul3A_289 = arith.constant 2.000000e-01 : f32
    %mul3A_290 = vector.broadcast %mul3A_289 : f32 to vector<1024x1024xf32>
    %mul3A_291 = arith.mulf %mul3A_290, %add3A_288 : vector<1024x1024xf32>
    %max3A_292 = arith.maximumf %add3A_288, %mul3A_291 : vector<1024x1024xf32>
    %add3A_293 = arith.addf %max3A_292, %get3A_1 : vector<1024x1024xf32>
    %reduce_max3A_294 = arith.constant dense<0xFF800000> : vector<1024xf32>
    %reduce_max3A_295 = vector.multi_reduction <maximumf>, %add3A_293, %reduce_max3A_294 [1] : vector<1024x1024xf32> to vector<1024xf32>
    %broadcast_in_dim3A_296 = vector.shape_cast %reduce_max3A_295 : vector<1024xf32> to vector<1024x1xf32>
    %sub3A_297 = vector.broadcast %broadcast_in_dim3A_296 : vector<1024x1xf32> to vector<1024x1024xf32>
    %sub3A_298 = arith.subf %add3A_293, %sub3A_297 : vector<1024x1024xf32>
    %exp3A_299 = math.exp %sub3A_298 : vector<1024x1024xf32>
    %concatenate3A_300 = tpu.concatenate %slice3A_276, %broadcast_in_dim3A_12 in 1 : vector<1024x64xf32>, vector<1024x1xf32> -> vector<1024x65xf32>
    %dot_general3A_301 = arith.constant dense<0.000000e+00> : vector<1024x65xf32>
    %dot_general3A_302 = tpu.matmul %exp3A_299, %concatenate3A_300, %dot_general3A_301 {dimension_numbers = #tpu.dot_dimension_numbers<[1], [0], [0], [1], [0, 0, 1, 1], [], []>, transpose_lhs_hint = false} : vector<1024x1024xf32>, vector<1024x65xf32>, vector<1024x65xf32> -> vector<1024x65xf32>
    %slice3A_303 = vector.extract_strided_slice %dot_general3A_302 {offsets = [0, 0], sizes = [1024, 64], strides = [1, 1]} : vector<1024x65xf32> to vector<1024x64xf32>
    %slice3A_304 = vector.extract_strided_slice %dot_general3A_302 {offsets = [0, 64], sizes = [1024, 1], strides = [1, 1]} : vector<1024x65xf32> to vector<1024x1xf32>
    %add3A_305 = arith.constant 1.000000e-16 : f32
    %add3A_306 = vector.broadcast %add3A_305 : f32 to vector<1024x1xf32>
    %add3A_307 = arith.addf %slice3A_304, %add3A_306 : vector<1024x1xf32>
    %div3A_308 = vector.broadcast %add3A_307 : vector<1024x1xf32> to vector<1024x64xf32>
    %div3A_309 = arith.divf %slice3A_303, %div3A_308 : vector<1024x64xf32>
    %concatenate3A_310 = tpu.concatenate %div3A_207, %div3A_241, %div3A_275, %div3A_309 in 1 : vector<1024x64xf32>, vector<1024x64xf32>, vector<1024x64xf32>, vector<1024x64xf32> -> vector<1024x256xf32>
    %add3A_311 = vector.broadcast %get3A_171 : vector<1x256xf32> to vector<1024x256xf32>
    %add3A_312 = arith.addf %concatenate3A_310, %add3A_311 : vector<1024x256xf32>
    %max3A_313 = arith.constant 0.000000e+00 : f32
    %max3A_314 = vector.broadcast %max3A_313 : f32 to vector<1024x256xf32>
    %max3A_315 = arith.maximumf %add3A_312, %max3A_314 : vector<1024x256xf32>
    %concatenate3A_316 = tpu.concatenate %max3A_159, %max3A_315 in 1 : vector<1024x256xf32>, vector<1024x256xf32> -> vector<1024x512xf32>
    %get3A_317 = arith.constant 0 : index
    %get3A_318 = arith.constant 0 : index
    %get3A_319 = vector.load %arg12[%get3A_317, %get3A_318] : memref<1024x652xf32, #tpu.memory_space<vmem>>, vector<1024x652xf32>
    %dot_general3A_320 = arith.constant dense<0.000000e+00> : vector<512x652xf32>
    %dot_general3A_321 = tpu.matmul %concatenate3A_316, %get3A_319, %dot_general3A_320 {dimension_numbers = #tpu.dot_dimension_numbers<[0], [0], [1], [1], [0, 1, 1, 1], [], []>, transpose_lhs_hint = false} : vector<1024x512xf32>, vector<1024x652xf32>, vector<512x652xf32> -> vector<512x652xf32>
    %get3A_322 = arith.constant 0 : index
    %get3A_323 = arith.constant 0 : index
    %get3A_324 = vector.load %arg13[%get3A_322, %get3A_323] : memref<1x652xf32, #tpu.memory_space<vmem>>, vector<1x652xf32>
    %add3A_325 = vector.broadcast %get3A_324 : vector<1x652xf32> to vector<512x652xf32>
    %add3A_326 = arith.addf %dot_general3A_321, %add3A_325 : vector<512x652xf32>
    %max3A_327 = arith.constant 0.000000e+00 : f32
    %max3A_328 = vector.broadcast %max3A_327 : f32 to vector<512x652xf32>
    %max3A_329 = arith.maximumf %add3A_326, %max3A_328 : vector<512x652xf32>
    %get3A_330 = arith.constant 0 : index
    %get3A_331 = arith.constant 0 : index
    %get3A_332 = vector.load %arg14[%get3A_330, %get3A_331] : memref<652x326xf32, #tpu.memory_space<vmem>>, vector<652x326xf32>
    %dot_general3A_333 = arith.constant dense<0.000000e+00> : vector<512x326xf32>
    %dot_general3A_334 = tpu.matmul %max3A_329, %get3A_332, %dot_general3A_333 {dimension_numbers = #tpu.dot_dimension_numbers<[1], [0], [0], [1], [0, 0, 1, 1], [], []>, transpose_lhs_hint = false} : vector<512x652xf32>, vector<652x326xf32>, vector<512x326xf32> -> vector<512x326xf32>
    %get3A_335 = arith.constant 0 : index
    %get3A_336 = arith.constant 0 : index
    %get3A_337 = vector.load %arg15[%get3A_335, %get3A_336] : memref<1x326xf32, #tpu.memory_space<vmem>>, vector<1x326xf32>
    %add3A_338 = vector.broadcast %get3A_337 : vector<1x326xf32> to vector<512x326xf32>
    %add3A_339 = arith.addf %dot_general3A_334, %add3A_338 : vector<512x326xf32>
    %max3A_340 = arith.constant 0.000000e+00 : f32
    %max3A_341 = vector.broadcast %max3A_340 : f32 to vector<512x326xf32>
    %max3A_342 = arith.maximumf %add3A_339, %max3A_341 : vector<512x326xf32>
    %get3A_343 = arith.constant 0 : index
    %get3A_344 = arith.constant 0 : index
    %get3A_345 = vector.load %arg16[%get3A_343, %get3A_344] : memref<326x1xf32, #tpu.memory_space<vmem>>, vector<326x1xf32>
    %dot_general3A_346 = arith.constant dense<0.000000e+00> : vector<512x1xf32>
    %dot_general3A_347 = tpu.matmul %max3A_342, %get3A_345, %dot_general3A_346 {dimension_numbers = #tpu.dot_dimension_numbers<[1], [0], [0], [1], [0, 0, 1, 1], [], []>, transpose_lhs_hint = false} : vector<512x326xf32>, vector<326x1xf32>, vector<512x1xf32> -> vector<512x1xf32>
    %get3A_348 = arith.constant 0 : index
    %get3A_349 = arith.constant 0 : index
    %get3A_350 = vector.load %arg17[%get3A_348, %get3A_349] : memref<1x1xf32, #tpu.memory_space<vmem>>, vector<1x1xf32>
    %add3A_351 = vector.broadcast %get3A_350 : vector<1x1xf32> to vector<512x1xf32>
    %add3A_352 = arith.addf %dot_general3A_347, %add3A_351 : vector<512x1xf32>
    %max3A_353 = arith.constant 0.000000e+00 : f32
    %max3A_354 = vector.broadcast %max3A_353 : f32 to vector<512x1xf32>
    %max3A_355 = arith.maximumf %add3A_352, %max3A_354 : vector<512x1xf32>
    %get3A_356 = arith.constant 0 : index
    %get3A_357 = arith.constant 0 : index
    %get3A_358 = vector.load %arg22[%get3A_356, %get3A_357] : memref<512x428xf32, #tpu.memory_space<vmem>>, vector<512x428xf32>
    %dot_general3A_359 = arith.constant dense<0.000000e+00> : vector<1x428xf32>
    %dot_general3A_360 = tpu.matmul %max3A_355, %get3A_358, %dot_general3A_359 {dimension_numbers = #tpu.dot_dimension_numbers<[0], [0], [1], [1], [0, 1, 1, 1], [], []>, transpose_lhs_hint = false} : vector<512x1xf32>, vector<512x428xf32>, vector<1x428xf32> -> vector<1x428xf32>
    %get3A_361 = arith.constant 0 : index
    %get3A_362 = arith.constant 0 : index
    %get3A_363 = arith.constant 0 : index
    %get3A_364 = vector.load %arg18[%get3A_361, %get3A_362, %get3A_363] : memref<1x1x128xf32, #tpu.memory_space<vmem>>, vector<1x1x128xf32>
    %get3A_365 = vector.shape_cast %get3A_364 : vector<1x1x128xf32> to vector<1x128xf32>
    %get3A_366 = arith.constant 0 : index
    %get3A_367 = arith.constant 0 : index
    %get3A_368 = vector.load %arg21[%get3A_366, %get3A_367] : memref<128x428xf32, #tpu.memory_space<vmem>>, vector<128x428xf32>
    %dot_general3A_369 = arith.constant dense<0.000000e+00> : vector<1x428xf32>
    %dot_general3A_370 = tpu.matmul %get3A_365, %get3A_368, %dot_general3A_369 {dimension_numbers = #tpu.dot_dimension_numbers<[1], [0], [0], [1], [0, 0, 1, 1], [], []>, transpose_lhs_hint = false} : vector<1x128xf32>, vector<128x428xf32>, vector<1x428xf32> -> vector<1x428xf32>
    %add3A_371 = arith.addf %dot_general3A_360, %dot_general3A_370 : vector<1x428xf32>
    %get3A_372 = arith.constant 0 : index
    %get3A_373 = arith.constant 0 : index
    %get3A_374 = arith.constant 0 : index
    %get3A_375 = vector.load %arg19[%get3A_372, %get3A_373, %get3A_374] : memref<1x1x1xf32, #tpu.memory_space<vmem>>, vector<1x1x1xf32>
    %get3A_376 = vector.shape_cast %get3A_375 : vector<1x1x1xf32> to vector<1x1xf32>
    %get3A_377 = arith.constant 0 : index
    %get3A_378 = arith.constant 0 : index
    %get3A_379 = vector.load %arg23[%get3A_377, %get3A_378] : memref<2x428xf32, #tpu.memory_space<vmem>>, vector<1x428xf32>
    %mul3A_380 = vector.broadcast %get3A_376 : vector<1x1xf32> to vector<1x428xf32>
    %mul3A_381 = arith.mulf %mul3A_380, %get3A_379 : vector<1x428xf32>
    %add3A_382 = arith.addf %add3A_371, %mul3A_381 : vector<1x428xf32>
    %get3A_383 = arith.constant 0 : index
    %get3A_384 = arith.constant 0 : index
    %get3A_385 = arith.constant 0 : index
    %get3A_386 = vector.load %arg20[%get3A_383, %get3A_384, %get3A_385] : memref<1x1x1xf32, #tpu.memory_space<vmem>>, vector<1x1x1xf32>
    %get3A_387 = vector.shape_cast %get3A_386 : vector<1x1x1xf32> to vector<1x1xf32>
    %get3A_388 = arith.constant 1 : index
    %get3A_389 = arith.constant 0 : index
    %get3A_390 = vector.load %arg23[%get3A_388, %get3A_389] : memref<2x428xf32, #tpu.memory_space<vmem>>, vector<1x428xf32>
    %mul3A_391 = vector.broadcast %get3A_387 : vector<1x1xf32> to vector<1x428xf32>
    %mul3A_392 = arith.mulf %mul3A_391, %get3A_390 : vector<1x428xf32>
    %add3A_393 = arith.addf %add3A_382, %mul3A_392 : vector<1x428xf32>
    %get3A_394 = arith.constant 0 : index
    %get3A_395 = arith.constant 0 : index
    %get3A_396 = vector.load %arg24[%get3A_394, %get3A_395] : memref<1x428xf32, #tpu.memory_space<vmem>>, vector<1x428xf32>
    %add3A_397 = arith.addf %add3A_393, %get3A_396 : vector<1x428xf32>
    %max3A_398 = arith.constant 0.000000e+00 : f32
    %max3A_399 = vector.broadcast %max3A_398 : f32 to vector<1x428xf32>
    %max3A_400 = arith.maximumf %add3A_397, %max3A_399 : vector<1x428xf32>
    %get3A_401 = arith.constant 0 : index
    %get3A_402 = arith.constant 0 : index
    %get3A_403 = vector.load %arg25[%get3A_401, %get3A_402] : memref<428x214xf32, #tpu.memory_space<vmem>>, vector<428x214xf32>
    %dot_general3A_404 = arith.constant dense<0.000000e+00> : vector<1x214xf32>
    %dot_general3A_405 = tpu.matmul %max3A_400, %get3A_403, %dot_general3A_404 {dimension_numbers = #tpu.dot_dimension_numbers<[1], [0], [0], [1], [0, 0, 1, 1], [], []>, transpose_lhs_hint = false} : vector<1x428xf32>, vector<428x214xf32>, vector<1x214xf32> -> vector<1x214xf32>
    %get3A_406 = arith.constant 0 : index
    %get3A_407 = arith.constant 0 : index
    %get3A_408 = vector.load %arg26[%get3A_406, %get3A_407] : memref<1x214xf32, #tpu.memory_space<vmem>>, vector<1x214xf32>
    %add3A_409 = arith.addf %dot_general3A_405, %get3A_408 : vector<1x214xf32>
    %max3A_410 = arith.constant 0.000000e+00 : f32
    %max3A_411 = vector.broadcast %max3A_410 : f32 to vector<1x214xf32>
    %max3A_412 = arith.maximumf %add3A_409, %max3A_411 : vector<1x214xf32>
    %get3A_413 = arith.constant 0 : index
    %get3A_414 = arith.constant 0 : index
    %get3A_415 = vector.load %arg27[%get3A_413, %get3A_414] : memref<214x2xf32, #tpu.memory_space<vmem>>, vector<214x2xf32>
    %dot_general3A_416 = arith.constant dense<0.000000e+00> : vector<1x2xf32>
    %dot_general3A_417 = tpu.matmul %max3A_412, %get3A_415, %dot_general3A_416 {dimension_numbers = #tpu.dot_dimension_numbers<[1], [0], [0], [1], [0, 0, 1, 1], [], []>, transpose_lhs_hint = false} : vector<1x214xf32>, vector<214x2xf32>, vector<1x2xf32> -> vector<1x2xf32>
    %get3A_418 = arith.constant 0 : index
    %get3A_419 = arith.constant 0 : index
    %get3A_420 = vector.load %arg28[%get3A_418, %get3A_419] : memref<1x2xf32, #tpu.memory_space<vmem>>, vector<1x2xf32>
    %add3A_421 = arith.addf %dot_general3A_417, %get3A_420 : vector<1x2xf32>
    %reshape3A = vector.shape_cast %add3A_421 : vector<1x2xf32> to vector<1x1x2xf32>
    %swap3A = arith.constant 0 : index
    %swap3A_422 = arith.constant 0 : index
    %swap3A_423 = arith.constant 0 : index
    %swap3A_424 = vector.load %arg29[%swap3A, %swap3A_422, %swap3A_423] : memref<1x1x2xf32, #tpu.memory_space<vmem>>, vector<1x1x2xf32>
    tpu.vector_store %arg29[%swap3A, %swap3A_422, %swap3A_423], %reshape3A {strides = array<i32>} : memref<1x1x2xf32, #tpu.memory_space<vmem>>, vector<1x1x2xf32>,
    return
  }
  func.func @transform_0(%arg0: i32) -> (i32, i32) {
    %c0_i32 = arith.constant 0 : i32
    %c0_i32_0 = arith.constant 0 : i32
    %c0_i32_1 = arith.constant 0 : i32
    return %c0_i32, %c0_i32_0 : i32, i32
  }
  func.func @transform_1(%arg0: i32) -> (i32, i32) {
    %c0_i32 = arith.constant 0 : i32
    %c0_i32_0 = arith.constant 0 : i32
    %c0_i32_1 = arith.constant 0 : i32
    return %c0_i32, %c0_i32_0 : i32, i32
  }
  func.func @transform_2(%arg0: i32) -> (i32, i32) {
    %c0_i32 = arith.constant 0 : i32
    %c0_i32_0 = arith.constant 0 : i32
    %c0_i32_1 = arith.constant 0 : i32
    return %c0_i32, %c0_i32_0 : i32, i32
  }
  func.func @transform_3(%arg0: i32) -> (i32, i32) {
    %c0_i32 = arith.constant 0 : i32
    %c0_i32_0 = arith.constant 0 : i32
    %c0_i32_1 = arith.constant 0 : i32
    return %c0_i32, %c0_i32_0 : i32, i32
  }
  func.func @transform_4(%arg0: i32) -> (i32, i32) {
    %c0_i32 = arith.constant 0 : i32
    %c0_i32_0 = arith.constant 0 : i32
    %c0_i32_1 = arith.constant 0 : i32
    return %c0_i32, %c0_i32_0 : i32, i32
  }
  func.func @transform_5(%arg0: i32) -> (i32, i32) {
    %c0_i32 = arith.constant 0 : i32
    %c0_i32_0 = arith.constant 0 : i32
    %c0_i32_1 = arith.constant 0 : i32
    return %c0_i32, %c0_i32_0 : i32, i32
  }
  func.func @transform_6(%arg0: i32) -> (i32, i32) {
    %c0_i32 = arith.constant 0 : i32
    %c0_i32_0 = arith.constant 0 : i32
    %c0_i32_1 = arith.constant 0 : i32
    return %c0_i32, %c0_i32_0 : i32, i32
  }
  func.func @transform_7(%arg0: i32) -> (i32, i32) {
    %c0_i32 = arith.constant 0 : i32
    %c0_i32_0 = arith.constant 0 : i32
    %c0_i32_1 = arith.constant 0 : i32
    return %c0_i32, %c0_i32_0 : i32, i32
  }
  func.func @transform_8(%arg0: i32) -> (i32, i32) {
    %c0_i32 = arith.constant 0 : i32
    %c0_i32_0 = arith.constant 0 : i32
    %c0_i32_1 = arith.constant 0 : i32
    return %c0_i32, %c0_i32_0 : i32, i32
  }
  func.func @transform_9(%arg0: i32) -> (i32, i32) {
    %c0_i32 = arith.constant 0 : i32
    %c0_i32_0 = arith.constant 0 : i32
    %c0_i32_1 = arith.constant 0 : i32
    return %c0_i32, %c0_i32_0 : i32, i32
  }
  func.func @transform_10(%arg0: i32) -> (i32, i32) {
    %c0_i32 = arith.constant 0 : i32
    %c0_i32_0 = arith.constant 0 : i32
    %c0_i32_1 = arith.constant 0 : i32
    return %c0_i32, %c0_i32_0 : i32, i32
  }
  func.func @transform_11(%arg0: i32) -> (i32, i32) {
    %c0_i32 = arith.constant 0 : i32
    %c0_i32_0 = arith.constant 0 : i32
    %c0_i32_1 = arith.constant 0 : i32
    return %c0_i32, %c0_i32_0 : i32, i32
  }
  func.func @transform_12(%arg0: i32) -> (i32, i32) {
    %c0_i32 = arith.constant 0 : i32
    %c0_i32_0 = arith.constant 0 : i32
    %c0_i32_1 = arith.constant 0 : i32
    return %c0_i32, %c0_i32_0 : i32, i32
  }
  func.func @transform_13(%arg0: i32) -> (i32, i32) {
    %c0_i32 = arith.constant 0 : i32
    %c0_i32_0 = arith.constant 0 : i32
    %c0_i32_1 = arith.constant 0 : i32
    return %c0_i32, %c0_i32_0 : i32, i32
  }
  func.func @transform_14(%arg0: i32) -> (i32, i32) {
    %c0_i32 = arith.constant 0 : i32
    %c0_i32_0 = arith.constant 0 : i32
    %c0_i32_1 = arith.constant 0 : i32
    return %c0_i32, %c0_i32_0 : i32, i32
  }
  func.func @transform_15(%arg0: i32) -> (i32, i32) {
    %c0_i32 = arith.constant 0 : i32
    %c0_i32_0 = arith.constant 0 : i32
    %c0_i32_1 = arith.constant 0 : i32
    return %c0_i32, %c0_i32_0 : i32, i32
  }
  func.func @transform_16(%arg0: i32) -> (i32, i32) {
    %c0_i32 = arith.constant 0 : i32
    %c0_i32_0 = arith.constant 0 : i32
    %c0_i32_1 = arith.constant 0 : i32
    return %c0_i32, %c0_i32_0 : i32, i32
  }
  func.func @transform_17(%arg0: i32) -> (i32, i32, i32) {
    %c0_i32 = arith.constant 0 : i32
    %c0_i32_0 = arith.constant 0 : i32
    %c0_i32_1 = arith.constant 0 : i32
    return %arg0, %c0_i32, %c0_i32_0 : i32, i32, i32
  }
  func.func @transform_18(%arg0: i32) -> (i32, i32, i32) {
    %c0_i32 = arith.constant 0 : i32
    %c0_i32_0 = arith.constant 0 : i32
    %c0_i32_1 = arith.constant 0 : i32
    return %arg0, %c0_i32, %c0_i32_0 : i32, i32, i32
  }
  func.func @transform_19(%arg0: i32) -> (i32, i32, i32) {
    %c0_i32 = arith.constant 0 : i32
    %c0_i32_0 = arith.constant 0 : i32
    %c0_i32_1 = arith.constant 0 : i32
    return %arg0, %c0_i32, %c0_i32_0 : i32, i32, i32
  }
  func.func @transform_20(%arg0: i32) -> (i32, i32) {
    %c0_i32 = arith.constant 0 : i32
    %c0_i32_0 = arith.constant 0 : i32
    %c0_i32_1 = arith.constant 0 : i32
    return %c0_i32, %c0_i32_0 : i32, i32
  }
  func.func @transform_21(%arg0: i32) -> (i32, i32) {
    %c0_i32 = arith.constant 0 : i32
    %c0_i32_0 = arith.constant 0 : i32
    %c0_i32_1 = arith.constant 0 : i32
    return %c0_i32, %c0_i32_0 : i32, i32
  }
  func.func @transform_22(%arg0: i32) -> (i32, i32) {
    %c0_i32 = arith.constant 0 : i32
    %c0_i32_0 = arith.constant 0 : i32
    %c0_i32_1 = arith.constant 0 : i32
    return %c0_i32, %c0_i32_0 : i32, i32
  }
  func.func @transform_23(%arg0: i32) -> (i32, i32) {
    %c0_i32 = arith.constant 0 : i32
    %c0_i32_0 = arith.constant 0 : i32
    %c0_i32_1 = arith.constant 0 : i32
    return %c0_i32, %c0_i32_0 : i32, i32
  }
  func.func @transform_24(%arg0: i32) -> (i32, i32) {
    %c0_i32 = arith.constant 0 : i32
    %c0_i32_0 = arith.constant 0 : i32
    %c0_i32_1 = arith.constant 0 : i32
    return %c0_i32, %c0_i32_0 : i32, i32
  }
  func.func @transform_25(%arg0: i32) -> (i32, i32) {
    %c0_i32 = arith.constant 0 : i32
    %c0_i32_0 = arith.constant 0 : i32
    %c0_i32_1 = arith.constant 0 : i32
    return %c0_i32, %c0_i32_0 : i32, i32
  }
  func.func @transform_26(%arg0: i32) -> (i32, i32) {
    %c0_i32 = arith.constant 0 : i32
    %c0_i32_0 = arith.constant 0 : i32
    %c0_i32_1 = arith.constant 0 : i32
    return %c0_i32, %c0_i32_0 : i32, i32
  }
  func.func @transform_27(%arg0: i32) -> (i32, i32) {
    %c0_i32 = arith.constant 0 : i32
    %c0_i32_0 = arith.constant 0 : i32
    %c0_i32_1 = arith.constant 0 : i32
    return %c0_i32, %c0_i32_0 : i32, i32
  }
  func.func @transform_28(%arg0: i32) -> (i32, i32, i32) {
    %c0_i32 = arith.constant 0 : i32
    %c0_i32_0 = arith.constant 0 : i32
    %c0_i32_1 = arith.constant 0 : i32
    return %arg0, %c0_i32, %c0_i32_0 : i32, i32, i32
  }
}

</mosaic_0001>

<sc_bundles>
// kernel: kernel.6.cloned.1.call-start
scs
__scs_entry_jumppad:
0x0: {  	(pc) =	sbr.rel $0x88, $3  }
0x1: {  	(tag) =	ssettag $0x0;
	lr =	simm.s32 $0x1  }
0x2: {  	[smem:$0x3F78] =	sst lr;
	_ =	strace $0xD0000000  }
0x3: {  	_ = 	snop  }
0x4: {  	_ = 	snop  }
0x5: {  	_ = 	snop  }
0x6: {  	_ = 	snop  }
0x7: {  	_ = 	snop  }
__scs_overlays_trampoline_lowered:
0x8: {  	[smem:$0x3F87] =	sst s0  }
0x9: {  	[smem:$0x3F88] =	sst s1  }
0xa: {  	[smem:$0x3F89] =	sst s2  }
0xb: {  	[smem:$0x3F8A] =	sst s3  }
0xc: {  	[smem:$0x3F8B] =	sst s4  }
0xd: {  	[smem:$0x3F8C] =	sst s5  }
0xe: {  	[smem:$0x3F8D] =	sst s6  }
0xf: {  	[smem:$0x3F8E] =	sst s7  }
0x10: {  	[smem:$0x3F8F] =	sst s8  }
0x11: {  	[smem:$0x3F90] =	sst s9;
	s0 =	simm.s32 @!p0 $0x0  }
0x12: {  	s1 =	sld [smem:$0x3F76];
	s0 =	simm.s32 @p0 $0x1  }
0x13: {  	[smem:$0x3F91] =	sst s0;
	s0 =	simm.s32 @!p1 $0x0  }
0x14: {  	s2 =	sld [smem:$0x3F75];
	s0 =	simm.s32 @p1 $0x1  }
0x15: {  	[smem:$0x3F92] =	sst s0;
	s0 =	simm.s32 @!p2 $0x0  }
0x16: {  	s3 =	sld [smem:$0x3FDB];
	s0 =	simm.s32 @p2 $0x1  }
0x17: {  	s4 =	simm.s32 $0x1BF5;
	[smem:$0x3F94] =	sst s0  }
0x18: {  	s0 =	sld [smem:$0x3F77];
	_ =	swait.ge [sflag:s4], $0x0  }
0x19: {  	s7 =	sld [smem:$0x3F78]  }
0x1a: {  	s8 =	sadd.s32 $0xFFFFE003, lr  }
0x1b: {  	s9 =	sadd.s32 $0xFFFFFEF7, lr;
	s5 =	simm.s32 $0xFFFFFFFF;
	p2 =	slt.u32 s8, $0xFFFFF086  }
0x1c: {  	p1 =	slt.u32 s9, $0xF7A;
	s5 =	simm.s32 @!p2 $0x0  }
0x1d: {  	s5 =	simm.s32 @p1 $0x1;
	p0 =	seq.s32 s7, s2  }
0x1e: {  	s7 =	smul.u32 @!p0 $0xF7A, s2;
	p2 =	seq.s32 @!p0 s5, $0x0  }
0x1f: {  	s9 =	smul.u32 $0xF7A, s1;
	s8 =	simm.s32 @!p0 $0x1BF5;
	p2 =	por !p2, p0  }
0x20: {  	[sflag:s8] =	ssyncset.s32 @!p0 $0xFFFFF086;
	s6 =	sadd.s32 @!p0 s3, s7;
	s7 =	simm.s32 @!p0 $0x108  }
0x21: {  	s3 =	sadd.s32 s3, s9;
	s6 =	sadd.s32 @!p0 $0x88, s6;
	s7 =	simm.s32 @p2 $0x1082  }
0x22: {  	[simem:s7], [sflag:s8] =	dma.local @!p0 [hbm:s6], $0xF7A  }
0x23: {  	s9 =	sor.u32 $0xD0000000, s2;
	s6 =	simm.s32 $0x108;
	_ =	swait.ge @!p0 [sflag:s8], $0x0  }
0x24: {  	s3 =	sadd.s32 $0x88, s3;
	s6 =	simm.s32 @!p1 $0x1082;
	[sflag:s4] =	ssyncset.s32 $0xFFFFF086  }
0x25: {  	[simem:s6], [sflag:s4] =	dma.local [hbm:s3], $0xF7A  }
0x26: {  	[smem:$0x3F78] =	sst s1;
	(tag) =	ssettag s2;
	_ =	strace s9  }
0x27: {  	s1 =	sld [smem:$0x3F88]  }
0x28: {  	s2 =	sld [smem:$0x3F89]  }
0x29: {  	s4 =	sld [smem:$0x3F8B]  }
0x2a: {  	p0 =	seq.s32 s5, $0x0;
	s5 =	sld [smem:$0x3F8C]  }
0x2b: {  	s6 =	sld [smem:$0x3F8D]  }
0x2c: {  	s7 =	sld [smem:$0x3F8E]  }
0x2d: {  	s3 =	simm.s32 $0x108;
	s8 =	sld [smem:$0x3F8F]  }
0x2e: {  	s3 =	simm.s32 @!p0 $0x1082;
	s9 =	sld [smem:$0x3F90]  }
0x2f: {  	lr =	sadd.s32 s0, s3;
	s0 =	sld [smem:$0x3F87]  }
0x30: {  	s3 =	sld [smem:$0x3F8A]  }
0x31: {  	[smem:$0x3F93] =	sst s10  }
0x32: {  	s10 =	sld [smem:$0x3F91];
	_ =	sdelay $0x3  }
0x33: {  	p0 =	seq.s32 s10, $0x1;
	s10 =	sld [smem:$0x3F93];
	_ =	sdelay $0x3  }
0x34: {  	[smem:$0x3F93] =	sst s10  }
0x35: {  	s10 =	sld [smem:$0x3F92];
	_ =	sdelay $0x3  }
0x36: {  	p1 =	seq.s32 s10, $0x1;
	s10 =	sld [smem:$0x3F93];
	_ =	sdelay $0x3  }
0x37: {  	[smem:$0x3F93] =	sst s10  }
0x38: {  	s10 =	sld [smem:$0x3F94]  }
0x39: {  	_ = 	snop;
	(pc) =	sbr.ind lr, $3  }
0x3a: {  	_ = 	snop  }
0x3b: {  	_ = 	snop  }
0x3c: {  	p2 =	seq.s32 s10, $0x1;
	s10 =	sld [smem:$0x3F93]  }
0x3d: {  	_ =	shalt  }
0x3e: {  	_ =	shalt  }
0x3f: {  	_ =	shalt  }
0x40: {  	_ =	shalt  }
0x41: {  	_ =	shalt  }
0x42: {  	_ =	shalt  }
0x43: {  	_ =	shalt  }
0x44: {  	_ =	shalt  }
0x45: {  	_ =	shalt  }
0x46: {  	_ =	shalt  }
0x47: {  	_ =	shalt  }
0x48: {  	_ =	shalt  }
0x49: {  	_ =	shalt  }
0x4a: {  	_ =	shalt  }
0x4b: {  	_ =	shalt  }
0x4c: {  	_ =	shalt  }
0x4d: {  	_ =	shalt  }
0x4e: {  	_ =	shalt  }
0x4f: {  	_ =	shalt  }
0x50: {  	_ =	shalt  }
0x51: {  	_ =	shalt  }
0x52: {  	_ =	shalt  }
0x53: {  	_ =	shalt  }
0x54: {  	_ =	shalt  }
0x55: {  	_ =	shalt  }
0x56: {  	_ =	shalt  }
0x57: {  	_ =	shalt  }
0x58: {  	_ =	shalt  }
0x59: {  	_ =	shalt  }
0x5a: {  	_ =	shalt  }
0x5b: {  	_ =	shalt  }
0x5c: {  	_ =	shalt  }
0x5d: {  	_ =	shalt  }
0x5e: {  	_ =	shalt  }
0x5f: {  	_ =	shalt  }
0x60: {  	_ =	shalt  }
0x61: {  	_ =	shalt  }
0x62: {  	_ =	shalt  }
0x63: {  	_ =	shalt  }
0x64: {  	_ =	shalt  }
0x65: {  	_ =	shalt  }
0x66: {  	_ =	shalt  }
0x67: {  	_ =	shalt  }
0x68: {  	_ =	shalt  }
0x69: {  	_ =	shalt  }
0x6a: {  	_ =	shalt  }
0x6b: {  	_ =	shalt  }
0x6c: {  	_ =	shalt  }
0x6d: {  	_ =	shalt  }
0x6e: {  	_ =	shalt  }
0x6f: {  	_ =	shalt  }
0x70: {  	_ =	shalt  }
0x71: {  	_ =	shalt  }
0x72: {  	_ =	shalt  }
0x73: {  	_ =	shalt  }
0x74: {  	_ =	shalt  }
0x75: {  	_ =	shalt  }
0x76: {  	_ =	shalt  }
0x77: {  	_ =	shalt  }
0x78: {  	_ =	shalt  }
0x79: {  	_ =	shalt  }
0x7a: {  	_ =	shalt  }
0x7b: {  	_ =	shalt  }
0x7c: {  	_ =	shalt  }
0x7d: {  	_ =	shalt  }
0x7e: {  	_ =	shalt  }
0x7f: {  	_ =	shalt  }
0x80: {  	_ =	shalt  }
0x81: {  	_ =	shalt  }
0x82: {  	_ =	shalt  }
0x83: {  	_ =	shalt  }
0x84: {  	_ =	shalt  }
0x85: {  	_ =	shalt  }
0x86: {  	_ =	shalt  }
0x87: {  	_ =	shalt  }
.Lfunc_end0:
.L_simem_size_0:
called_computation_lowered:
.L_overlay_start_0:
0x88: {  	s2 =	sld [smem:$0x3FD9]  }
0x89: {  	s3 =	sld [smem:$0x3FFE];
	_ =	sdelay $0x1  }
0x8a: {  	s1 =	srdreg.scid  }
0x8b: {  	s0 =	sand.u32 $0x1, s1  }
0x8c: {  	s17 =	sshll.u32 s0, $0xA;
	s2 =	sadd.s32 s3, s2  }
0x8d: {  	s2 =	sadd.s32 s2, s17  }
0x8e: {  	[smem:$0x3F9F] =	sst s2  }
0x8f: {  	_ = 	snop  }
0x90: {  	s2 =	sld [smem:$0x3FC9]  }
0x91: {  	s18 =	sld [smem:$0x3FC4];
	(tm) =	ssettm $0x1  }
0x92: {  	s4 =	sld [smem:$0x3FFB];
	_ =	sdelay $0x3  }
0x93: {  	_ =	strace s4  }
0x94: {  	s4 =	sld [smem:$0x3FFC];
	_ =	sdelay $0x3  }
0x95: {  	_ =	strace s4  }
0x96: {  	s4 =	sld [smem:$0x3FFD];
	_ =	sdelay $0x3  }
0x97: {  	_ =	strace s4  }
0x98: {  	_ =	strace $0x8FFFFFFF  }
0x99: {  	s19 =	sld [smem:$0x3FDB];
	_ =	sdelay $0x1  }
0x9a: {  	s5 =	simm.s32 $_scs_section_size  }
0x9b: {  	s6 =	simm.s32 $_size__tile_overlayer_lowered;
	s7 =	simm.s32 $_tile_overlayer_lowered  }
0x9c: {  	s22 =	simm.s32 $0x1BFF;
	s21 =	sshll.u32 s7, $0x1;
	s4 =	sadd.s32 s5, s19  }
0x9d: {  	s8 =	simm.s32 $0x0;
	s20 =	sshll.u32 s6, $0x1;
	s6 =	sadd.s32 s21, s4  }
0x9e: {  	[timem:s8], [sflag:s22] =	dma.local [hbm:s6], s20  }
0x9f: {  	_ =	swait.ge [sflag:s22], s20  }
0xa0: {  	s5 =	ssub.s32 $0x0, s20;
	[sflag:s22] =	ssyncset.done $0x0  }
0xa1: {  	[sflag:s22] =	ssyncadd.s32 s5;
	_ =	sdelay $0x1  }
0xa2: {  	s23 =	simm.s32 $0x1B8B  }
0xa3: {  	_ =	swait.ge [sflag:s23], $0x1  }
0xa4: {  	[sflag:s23] =	ssyncset.done $0x0  }
0xa5: {  	s25 =	simm.s32 $0x1B8E;
	s24 =	sld [smem:$0x3FFE];
	[sflag:s23] =	ssyncadd.s32 $0xFFFFFFFF  }
0xa6: {  	s26 =	simm.s32 $execute0_lowered;
	[smem:$0x3FD2] =	sst s25  }
0xa7: {  	s6 =	sshll.u32 s26, $0x1;
	_ =	strace $0x80000046;
	[dreg:$0x1] =	wrdreg $0xFFFFFFFF  }
0xa8: {  	s28 =	simm.s32 $_size_execute0_lowered;
	s4 =	sadd.s32 s4, s6;
	[dreg:$0x0] =	wrdreg $0x0  }
0xa9: {  	s6 =	sshll.u32 s28, $0x1;
	[dreg:$0x2] =	wrdreg s4  }
0xaa: {  	[dreg:$0x3] =	wrdreg s6  }
0xab: {  	[dreg:$0x4] =	wrdreg $0xC0  }
0xac: {  	_ =	task [dreg:s8], $0x5FFFF  }
0xad: {  	[dreg:$0x1] =	wrdreg $0xFFFFFFFF  }
0xae: {  	[dreg:$0x0] =	wrdreg $0x60  }
0xaf: {  	[dreg:$0x2] =	wrdreg s18  }
0xb0: {  	[dreg:$0x3] =	wrdreg s24  }
0xb1: {  	[dreg:$0x4] =	wrdreg s2  }
0xb2: {  	[dreg:$0x5] =	wrdreg $0x9  }
0xb3: {  	_ =	task.clear_ibuf [dreg:s8], $0x6FFFF;
	_ =	strace $0x90000046  }
0xb4: {  	s29 =	simm.s32 $0x9;
	_ =	strace $0x80000048  }
0xb5: {  	_ =	swait.ge [sflag:s29], $0x1  }
0xb6: {  	[sflag:s29] =	ssyncadd.s32 $0xFFFFFFFF  }
0xb7: {  	_ =	strace $0x90000048  }
0xb8: {  	_ =	sfence  }
0xb9: {  	s30 =	sld [smem:$0x0];
	_ =	sdelay $0x2  }
0xba: {  	s31 =	sshll.u32 s1, $0xD;
	s1 =	sshrl.u32 s1, $0x2  }
0xbb: {  	s3 =	sand.u32 $0x4000, s31;
	s1 =	sadd.s32 s1, s30  }
0xbc: {  	s0 =	sor.u32 s3, s0;
	s1 =	sshll.u32 s1, $0x11  }
0xbd: {  	s0 =	sor.u32 s1, s0  }
0xbe: {  	s0 =	sadd.s32 $0x8F2B, s0  }
0xbf: {  	[sflag:s0] =	ssyncadd.remote.s32 $0x1  }
0xc0: {  	_ =	sfence.sel $0xFFFF  }
0xc1: {  	[dreg:$0x0] =	wrdreg $0xFFFFFFFF;
	(pc) =	sbr.abs _section_cstart, $3  }
0xc2: {  	[dreg:$0x1] =	wrdreg $0xFFFFFFFF  }
0xc3: {  	_ =	task.clear_ibuf [dreg:s8], $0x2FFFF;
	_ =	strace $0x9FFFFFFF  }
0xc4: {  	(tm) =	ssettm $0x7FFFFFFF  }
0xc5: {  	_ =	shalt  }
tec
execute0_lowered:
.L_overlay_start_1:
0x0: {  	(tag) =	ssettag $0x1  }
0x1: {  	s1 =	rddreg [dreg:$0x0]  }
0x2: {  	s5 =	rddreg [dreg:$0x1]  }
0x3: {  	s7 =	rddreg [dreg:$0x2]  }
0x4: {  	s0 =	rddreg [dreg:$0x3]  }
0x5: {  	s4 =	srdreg.scid;
	s2 =	stileid.u32  }
0x6: {  	s3 =	simm.s32 $0x0;
	s15 =	simm.s32 $0x11D00;
	s16 =	simm.s32 $0x400  }
0x7: {  	s17 =	simm.s32 $0x12100;
	s18 =	simm.s32 $0x15180;
	s19 =	simm.s32 $0x0  }
0x8: {  	s6 =	sand.u32 $0x1, s4;
	s29 =	sshll.u32 s2, $0x1;
	[smem:$0x7FF] =	sst s3  }
0x9: {  	s9 =	sshrl.u32 s2, $0x2;
	s4 =	sadd.s32 $0x5E00, s5;
	p0 =	sgt.u32 s2, $0x7  }
0xa: {  	s8 =	sor.u32 s6, s29;
	_ =	strace $0x80000047;
	s11 =	sshll.u32 s9, $0xD  }
0xb: {  	s6 =	ssub.s32 $0x2, s6;
	s9 =	smul.u32 $0x18400, s9;
	s10 =	sshll.u32 s8, $0x7  }
0xc: {  	s12 =	sshll.u32 s8, $0xC;
	s13 =	sshrl.u32 s6, $0x1;
	s14 =	sshll.u32 s8, $0x5  }
0xd: {  	v1 =	vlaneseq.u32;
	s10 =	sand.u32 $0x380, s10;
	s12 =	sadd.s32 s12, s5;
	s13 =	ssub.s32 s6, s13  }
0xe: {  	v2 =	vmul.u32 $0xFFFFFFFF, v1;
	s31 =	sadd.s32 $0x20, s14;
	s8 =	sor.u32 $0x10, s14;
	s11 =	sor.u32 s11, s10  }
.Ltmp0:
0xf: {  	v3 =	vmul.u32 $0x401, v1;
	v0 =	vmov s14;
	s30 =	sor.u32 s9, s10;
	v4 =	vor.u32 s8, v1;
	s6 =	sadd.s32 $0x6000, s12;
	(pc) =	sbr.rel .LBB2_1-.Ltmp0, $4  }
0x10: {  	v2 =	vadd.s32 $0x3D2, v2;
	v1 =	vmov s31;
	s9 =	smax.u32 s13, $0x1;
	s12 =	simm.s32 $0x1;
	s13 =	simm.s32 $0x4E80;
	v5 =	vsub.s32 v4, v0  }
0x11: {  	vm0 =	vlt.u32 v0, v2;
	v2 =	vor.u32 s14, v3;
	s14 =	simm.s32 $0x9D00;
	s11 =	sshrl.u32 s11, $0x3;
	s10 =	sshrl.u32 s30, $0x3;
	v3 =	vshll.u32 v5, $0xA  }
0x12: {  	v2 =	vnsel vm0, $0x0, v2;
	vm1 =	vlt.u32 v4, $0x3D2;
	s11 =	sadd.s32 s11, s5;
	s5 =	sadd.s32 $0x10, s1;
	s7 =	sadd.s32 s7, s10;
	v3 =	vadd.s32 v4, v3  }
0x13: {  	s10 =	simm.s32 $0x80;
	v5 =	vimm.f32 $1.000000000e+00;
	s8 =	sadd.s32 $0x26000, s11;
	s11 =	simm.s32 $0x100;
	v4 =	vimm.f32 $0.0e+00;
	v3 =	vnsel vm1, $0x0, v3  }
.LBB2_8:
0x14: {  	v7 =	vld [tilespmem:s21+$0x11D00];
	_ =	sdelay $0x6  }
0x15: {  	[tilespmem:s20+$0x15180] =	vst v6  }
0x16: {  	v6 =	vld.idx.msk [tilespmem:v7+s17+$0x0], $0xffff;
	_ =	sdelay $0x4  }
0x17: {  	[tilespmem:s21+$0x15180] =	vst v6  }
0x18: {  	[hbm4b:s8+s10] =	stream.strided.scatter [tilespmem:s18], [sflag:$0x1], $0x400, s16, s10, $0x38;
	[tilespmem:$0x15580] =	vst v63  }
0x19: {  	_ =	swait.ge [sflag:s12], $0x400  }
0x1a: {  	[sflag:s12] =	ssyncset.done $0x0  }
0x1b: {  	[sflag:s12] =	ssyncadd.s32 $0xFFFFFC00  }
.LBB2_9:
0x1c: {  	s19 =	sadd.s32 $0x1, s19  }
0x1d: {  	p1 =	sne.s32 s19, s9  }
.Ltmp1:
0x1e: {  	_ = 	snop;
	(pc) =	sbr.rel @!p1 .LBB2_10-.Ltmp1, $1  }
0x1f: {  	_ =	sdelay $0x3  }
.LBB2_1:
0x20: {  	s21 =	simm.s32 $0x100;
	s20 =	simm.s32 $0x0  }
.LBB2_2:
0x21: {  	p1 =	sne.s32 s21, $0x1FF00;
	[tilespmem:s20+$0x9D30] =	vst v4;
	s22 =	smov.u32 s21;
	s21 =	sadd.s32 $0x100, s21  }
.Ltmp2:
0x22: {  	[tilespmem:s20+$0x9D20] =	vst v4;
	(pc) =	sbr.rel @p1 .LBB2_2-.Ltmp2, $3  }
0x23: {  	[tilespmem:s20+$0x9D00] =	vst v4  }
0x24: {  	[tilespmem:s20+$0x9D10] =	vst v4;
	_ =	sdelay $0x1  }
0x25: {  	s20 =	sshra.s32 s22, $0x2  }
0x26: {  	[tilespmem:s20+$0x9D30] =	vst v4  }
0x27: {  	[tilespmem:s20+$0x9D20] =	vst v4  }
0x28: {  	[tilespmem:s20+$0x9D00] =	vst v4  }
0x29: {  	[tilespmem:s20+$0x9D10] =	vst v4;
	s20 =	simm.s32 $0x0  }
0x2a: {  	[tilespmem:s20], [sflag:$0x1] =	stream.strided.gather [hbm4b:s1+s10], $0x4E80, s11, s10, $0x38;
	[tilespmem:$0x15580] =	vst v63  }
0x2b: {  	_ =	swait.ge [sflag:s12], $0x4E80  }
0x2c: {  	[sflag:s12] =	ssyncset.done $0x0  }
0x2d: {  	[sflag:s12] =	ssyncadd.s32 $0xFFFFB180  }
0x2e: {  	[tilespmem:s13], [sflag:$0x1] =	stream.strided.gather [hbm4b:s5+s10], $0x4E80, s11, s10, $0x38;
	[tilespmem:$0x15580] =	vst v63  }
0x2f: {  	_ =	swait.ge [sflag:s12], $0x4E80  }
0x30: {  	[sflag:s12] =	ssyncset.done $0x0  }
0x31: {  	[sflag:s12] =	ssyncadd.s32 $0xFFFFB180  }
.LBB2_4:
0x32: {  	s21 =	sshra.s32 s20, $0x2  }
0x33: {  	v6 =	vld [tilespmem:s21+$0x4E80];
	_ =	sdelay $0x1  }
0x34: {  	v7 =	vld [tilespmem:s21+$0x0];
	_ =	sdelay $0x2  }
0x35: {  	v8 =	vsub.s32 v6, v0  }
0x36: {  	vm2 =	vge.s32 v6, v0;
	vm3 =	vlt.s32 v6, v1;
	v6 =	vshll.u32 v8, $0xA  }
0x37: {  	vm2 =	vmand vm2, vm3;
	v6 =	vadd.s32 v7, v6  }
0x38: {  	v6 =	vnsel vm2, $0x0, v6;
	_ =	sdelay $0x4  }
0x39: {  	[tilespmem:v6+s14+$0x0] =	vst.idx.add.f32.msk vm2, v5  }
0x3a: {  	v6 =	vld [tilespmem:s21+$0x4E90];
	_ =	sdelay $0x1  }
0x3b: {  	v7 =	vld [tilespmem:s21+$0x10];
	_ =	sdelay $0x2  }
0x3c: {  	v61 =	vsub.s32 v6, v0  }
0x3d: {  	vm2 =	vge.s32 v6, v0;
	vm3 =	vlt.s32 v6, v1;
	v6 =	vshll.u32 v61, $0xA  }
0x3e: {  	vm2 =	vmand vm2, vm3;
	v6 =	vadd.s32 v7, v6  }
0x3f: {  	v6 =	vnsel vm2, $0x0, v6;
	_ =	sdelay $0x4  }
0x40: {  	[tilespmem:v6+s14+$0x0] =	vst.idx.add.f32.msk vm2, v5  }
0x41: {  	v6 =	vld [tilespmem:s21+$0x4EA0];
	_ =	sdelay $0x1  }
0x42: {  	v7 =	vld [tilespmem:s21+$0x20];
	_ =	sdelay $0x2  }
0x43: {  	v62 =	vsub.s32 v6, v0  }
0x44: {  	vm2 =	vge.s32 v6, v0;
	vm3 =	vlt.s32 v6, v1;
	v6 =	vshll.u32 v62, $0xA  }
0x45: {  	vm2 =	vmand vm2, vm3;
	v6 =	vadd.s32 v7, v6  }
0x46: {  	v6 =	vnsel vm2, $0x0, v6;
	_ =	sdelay $0x4  }
0x47: {  	[tilespmem:v6+s14+$0x0] =	vst.idx.add.f32.msk vm2, v5  }
0x48: {  	v6 =	vld [tilespmem:s21+$0x4EB0];
	_ =	sdelay $0x1  }
0x49: {  	v7 =	vld [tilespmem:s21+$0x30];
	_ =	sdelay $0x2  }
0x4a: {  	v63 =	vsub.s32 v6, v0  }
0x4b: {  	vm2 =	vge.s32 v6, v0;
	vm3 =	vlt.s32 v6, v1;
	v6 =	vshll.u32 v63, $0xA  }
0x4c: {  	vm2 =	vmand vm2, vm3;
	v6 =	vadd.s32 v7, v6  }
0x4d: {  	p1 =	sne.s32 s20, $0x13700;
	v6 =	vnsel vm2, $0x0, v6  }
.Ltmp3:
0x4e: {  	_ = 	snop;
	(pc) =	sbr.rel @p1 .LBB2_4-.Ltmp3, $2  }
0x4f: {  	_ =	sdelay $0x2  }
0x50: {  	s20 =	sadd.s32 $0x100, s20;
	[tilespmem:v6+s14+$0x0] =	vst.idx.add.f32.msk vm2, v5  }
0x51: {  	v6 =	vld [tilespmem:$0x9C80];
	_ =	sdelay $0x1  }
0x52: {  	v7 =	vld [tilespmem:$0x4E00];
	_ =	sdelay $0x2  }
0x53: {  	v8 =	vsub.s32 v6, v0  }
0x54: {  	vm2 =	vge.s32 v6, v0;
	vm3 =	vlt.s32 v6, v1;
	v6 =	vshll.u32 v8, $0xA  }
0x55: {  	vm2 =	vmand vm2, vm3;
	v6 =	vadd.s32 v7, v6  }
0x56: {  	v6 =	vnsel vm2, $0x0, v6;
	_ =	sdelay $0x4  }
0x57: {  	[tilespmem:v6+s14+$0x0] =	vst.idx.add.f32.msk vm2, v5  }
0x58: {  	v6 =	vld [tilespmem:$0x9C90];
	_ =	sdelay $0x1  }
0x59: {  	v7 =	vld [tilespmem:$0x4E10];
	_ =	sdelay $0x2  }
0x5a: {  	v63 =	vsub.s32 v6, v0  }
0x5b: {  	vm2 =	vge.s32 v6, v0;
	vm3 =	vlt.s32 v6, v1;
	v6 =	vshll.u32 v63, $0xA  }
0x5c: {  	vm2 =	vmand vm2, vm3;
	v6 =	vadd.s32 v7, v6  }
0x5d: {  	v6 =	vnsel vm2, $0x0, v6;
	_ =	sdelay $0x4  }
0x5e: {  	[tilespmem:v6+s14+$0x0] =	vst.idx.add.f32.msk vm2, v5  }
0x5f: {  	[tilespmem:v2+s14+$0x0] =	vst.idx.add.f32.msk vm0, v5  }
.Ltmp4:
0x60: {  	[tilespmem:v3+s14+$0x0] =	vst.idx.add.f32.msk vm1, v5;
	(pc) =	sbr.rel @p0 .LBB2_9-.Ltmp4, $4  }
0x61: {  	[hbm4b:s6+s3] =	stream.linear.scatter [tilespmem:s14], [sflag:$0x1], $0x8000, $0x38;
	[tilespmem:$0x15580] =	vst v63  }
0x62: {  	_ =	swait.ge [sflag:s12], $0x8000  }
0x63: {  	[sflag:s12] =	ssyncset.done $0x0  }
0x64: {  	[sflag:s12] =	ssyncadd.s32 $0xFFFF8000  }
0x65: {  	s20 =	simm.s32 $0x0  }
0x66: {  	[tilespmem:s15], [sflag:$0x1] =	stream.linear.gather [hbm4b:s4+s20], $0x400, $0x38;
	[tilespmem:$0x15580] =	vst v63  }
0x67: {  	_ =	swait.ge [sflag:s12], $0x400  }
0x68: {  	[sflag:s12] =	ssyncset.done $0x0  }
0x69: {  	[sflag:s12] =	ssyncadd.s32 $0xFFFFFC00  }
0x6a: {  	[tilespmem:s17], [sflag:$0x1] =	stream.strided.gather [hbm4b:s7+s10], $0x3080, s16, s10, $0x38;
	[tilespmem:$0x15580] =	vst v63  }
0x6b: {  	_ =	swait.ge [sflag:s12], $0x3080  }
0x6c: {  	[sflag:s12] =	ssyncset.done $0x0  }
0x6d: {  	s20 =	simm.s32 $0x0;
	[sflag:s12] =	ssyncadd.s32 $0xFFFFCF80  }
0x6e: {  	v6 =	vld [tilespmem:s20+$0x11D00];
	_ =	sdelay $0x7  }
0x6f: {  	s21 =	simm.s32 $0x10;
	s22 =	simm.s32 $0x80;
	v6 =	vld.idx.msk [tilespmem:v6+s17+$0x0], $0xffff  }
.LBB2_7:
0x70: {  	p1 =	sne.s32 s22, $0xFC0;
	v7 =	vld [tilespmem:s21+$0x11D00];
	_ =	sdelay $0x3  }
.Ltmp5:
0x71: {  	(pc) =	sbr.rel @p1 .LBB2_7-.Ltmp5, $2  }
0x72: {  	[tilespmem:s20+$0x15180] =	vst v6;
	s20 =	smov.u32 s21;
	_ =	sdelay $0x2  }
0x73: {  	s21 =	sshra.s32 s22, $0x2;
	s22 =	sadd.s32 $0x40, s22;
	v6 =	vld.idx.msk [tilespmem:v7+s17+$0x0], $0xffff  }
.Ltmp6:
0x74: {  	_ = 	snop;
	(pc) =	sbr.rel .LBB2_8-.Ltmp6, $1  }
0x75: {  	_ =	sdelay $0x3  }
.LBB2_10:
0x76: {  	_ =	sfence.sel $0x180000  }
0x77: {  	[bflag:$0x0] =	sbarrier.arrive $0xFFFF  }
0x78: {  	p0 =	sne.s32 s2, $0x0;
	_ =	strace $0x90000047  }
0x79: {  	s0 =	sadd.s32 @!p0 $0x100000, s0;
	[bflag:$0x2] =	sbarrier.arrive $0xFFFF  }
0x7a: {  	[sflag:s0] =	ssyncadd.tile.s32 @!p0 $0x1;
	_ =	shalt  }
.Lfunc_end2:
_tile_overlayer_lowered:
.L_overlay_start_2:
0x7b: {  	(tag) =	ssettag $0x2  }
0x7c: {  	s0 =	rddreg [dreg:$0x0];
	s2 =	stileid.u32  }
0x7d: {  	s1 =	rddreg [dreg:$0x1];
	p0 =	sne.s32 s2, $0x0  }
0x7e: {  	s3 =	rddreg [dreg:$0x2];
	[bflag:$0x3] =	sbarrier.arrive $0xFFFF;
	s2 =	simm.s32 @!p0 $0x1C01  }
0x7f: {  	[timem:s3], [sflag:s2] =	dma.local @!p0 [hbm:s0], s1  }
0x80: {  	s0 =	simm.s32 @!p0 $0x1  }
0x81: {  	_ =	swait.ge @!p0 [sflag:s0], s1  }
0x82: {  	s1 =	ssub.s32 @!p0 $0x0, s1;
	[sflag:s0] =	ssyncset.done @!p0 $0x0  }
0x83: {  	[sflag:s0] =	ssyncadd.s32 @!p0 s1  }
0x84: {  	[bflag:$0x3] =	sbarrier.arrive $0xFFFF  }
0x85: {  	_ =	shalt  }

</sc_bundles>
